<compile_context>
chip_gen: v7x
topology: tpu7x:2x2x1
jax: 0.10.2.dev20260603
libtpu: 0.0.44.dev20260713+nightly
codegen_flags: <defaults>
</compile_context>

<pallas_src>
import functools

import jax
import jax.numpy as jnp
from jax import lax
from jax.experimental import pallas as pl
from jax.experimental.pallas import tpu as pltpu
from jax.experimental.pallas import tpu_sc as plsc

N = 10000
E = 320000
D = 128
H = 128
G = 64

CHUNK = 128
NW = 32
CH_PER_W = 80
NCH = E // CHUNK
E_PAD = CH_PER_W * NW * CHUNK
N_PAD = 10112
ZROWS = N_PAD // 16
G_PER_W = E_PAD // 16 // NW
PAD_DST = 10008

_mesh = plsc.VectorSubcoreMesh(core_axis_name="c", subcore_axis_name="s")


@functools.partial(
    pl.kernel,
    mesh=_mesh,
    out_type=jax.ShapeDtypeStruct((2, N_PAD, D), jnp.float32),
    scratch_types=[
        pltpu.VMEM((CH_PER_W // 2, CHUNK), jnp.int32),
        pltpu.VMEM((CH_PER_W // 2, CHUNK), jnp.int32),
        pltpu.VMEM((2, CHUNK, D), jnp.float32),
        pltpu.VMEM_SHARED((N_PAD, D), jnp.float32),
        pltpu.SemaphoreType.DMA,
        pltpu.SemaphoreType.DMA,
    ],
)
def _sc_aggregate(edge_hbm, x_hbm, agg_out,
                  sidx, didx, rows, acc_sh, gsem, ssem):
    c = lax.axis_index("c")
    s = lax.axis_index("s")
    w = c * 16 + s

    def _z_body(i, carry):
        rows[0, i // 8, pl.ds((i % 8) * 16, 16)] = jnp.zeros((16,), jnp.float32)
        return carry

    lax.fori_loop(0, CHUNK * 8, _z_body, 0)
    z0 = s * ZROWS
    for t in range(4):
        pltpu.async_copy(rows.at[0],
                         acc_sh.at[pl.ds(z0 + t * CHUNK, CHUNK)], ssem)
    pltpu.async_copy(rows.at[0, pl.ds(0, ZROWS - 4 * CHUNK)],
                     acc_sh.at[pl.ds(z0 + 4 * CHUNK, ZROWS - 4 * CHUNK)],
                     ssem)

    c0 = w * CH_PER_W
    nv = jnp.minimum(CH_PER_W, NCH - c0)
    HALF = CH_PER_W // 2

    for p in range(2):
        nvp = jnp.clip(nv - p * HALF, 0, HALF)

        @pl.when(nvp > 0)
        def _():
            pltpu.sync_copy(edge_hbm.at[0, pl.ds(c0 + p * HALF, HALF)], sidx)
            pltpu.sync_copy(edge_hbm.at[1, pl.ds(c0 + p * HALF, HALF)], didx)
            if p == 0:
                for t in range(4):
                    pltpu.make_async_copy(
                        x_hbm.at[pl.ds(0, CHUNK)], rows.at[0], ssem).wait()
                pltpu.make_async_copy(
                    x_hbm.at[pl.ds(0, ZROWS - 4 * CHUNK)],
                    rows.at[0, pl.ds(0, ZROWS - 4 * CHUNK)], ssem).wait()
                plsc.subcore_barrier()
            pltpu.async_copy(x_hbm.at[sidx.at[0]], rows.at[0], gsem)

            def chunk_body(i, carry):
                b = i % 2
                nb = 1 - b

                pltpu.make_async_copy(
                    x_hbm.at[pl.ds(0, CHUNK)], rows.at[b], gsem).wait()

                @pl.when(i >= 1)
                def _():
                    pltpu.make_async_copy(
                        x_hbm.at[pl.ds(0, CHUNK)], rows.at[nb], ssem).wait()

                @pl.when(i + 1 < nvp)
                def _():
                    pltpu.async_copy(
                        x_hbm.at[sidx.at[i + 1]], rows.at[nb], gsem)

                pltpu.async_copy(
                    rows.at[b], acc_sh.at[didx.at[i]], ssem, add=True)
                return carry

            lax.fori_loop(0, nvp, chunk_body, 0)
            pltpu.make_async_copy(
                x_hbm.at[pl.ds(0, CHUNK)], rows.at[0], ssem).wait()

    plsc.subcore_barrier()

    pltpu.sync_copy(acc_sh.at[pl.ds(z0, ZROWS)], agg_out.at[c, pl.ds(z0, ZROWS)])


@functools.partial(
    pl.kernel,
    mesh=_mesh,
    out_type=jax.ShapeDtypeStruct((2, 16, N_PAD), jnp.float32),
    scratch_types=[
        pltpu.VMEM((CH_PER_W, CHUNK), jnp.int32),
        pltpu.VMEM((N_PAD,), jnp.float32),
    ],
    compiler_params=pltpu.CompilerParams(needs_layout_passes=False),
)
def _sc_degree(edge_hbm, deg_out, didx, deg_l):
    c = lax.axis_index("c")
    s = lax.axis_index("s")
    w = c * 16 + s

    def _dz_body(i, carry):
        for k in range(8):
            deg_l[pl.ds((i * 8 + k) * 16, 16)] = jnp.zeros((16,), jnp.float32)
        return carry

    lax.fori_loop(0, N_PAD // 128, _dz_body, 0)

    pltpu.sync_copy(edge_hbm.at[1, pl.ds(w * CH_PER_W, CH_PER_W)], didx)

    ones = jnp.full((16,), 1.0, jnp.float32)

    def g_body(i, carry):
        for k in range(8):
            plsc.addupdate_scatter(
                deg_l, [didx[i, pl.ds(k * 16, 16)]], ones)
        return carry

    lax.fori_loop(0, CH_PER_W, g_body, 0)
    pltpu.sync_copy(deg_l, deg_out.at[c, s])


BN = 1000
NBLK = N // BN


def _tc_body(x_ref, a_ref, d_ref, b_ref, wl_ref, wr_ref, bl_ref, w2_ref,
             b2_ref, out_ref, pooled, dscr):
    pid = pl.program_id(0)

    @pl.when(pid == 0)
    def _():
        pooled[...] = jnp.full((G, H), -jnp.inf, jnp.float32)
        dscr[...] = jnp.transpose(d_ref[...].reshape(NW, N_PAD))

    deg = jnp.sum(dscr[pl.ds(pid * BN, BN), :], axis=1,
                  keepdims=True)
    mean = (a_ref[0] + a_ref[1]) / jnp.maximum(deg, 1.0)
    h = (jnp.dot(mean, wl_ref[...], preferred_element_type=jnp.float32)
         + jnp.dot(x_ref[...], wr_ref[...], preferred_element_type=jnp.float32)
         + bl_ref[...])
    h = jnp.maximum(h, 0.0)

    g0 = b_ref[0, 0]
    g1 = b_ref[BN - 1, 0]

    def gbody(g, carry):
        pen = jnp.where(b_ref[...] == g, 0.0, -jnp.inf)
        m = jnp.max(h + pen, axis=0, keepdims=True)
        pooled[pl.ds(g, 1), :] = jnp.maximum(pooled[pl.ds(g, 1), :], m)
        return carry

    lax.fori_loop(g0, g1 + 1, gbody, 0)

    @pl.when(pid == NBLK - 1)
    def _():
        pf = pooled[...]
        pf = jnp.where(jnp.isfinite(pf), pf, 0.0)
        out_ref[...] = (
            jnp.dot(pf, w2_ref[...], preferred_element_type=jnp.float32)
            + b2_ref[...])


_tc_call = pl.pallas_call(
    _tc_body,
    grid=(NBLK,),
    in_specs=[
        pl.BlockSpec((BN, D), lambda i: (i, 0)),
        pl.BlockSpec((2, BN, D), lambda i: (0, i, 0)),
        pl.BlockSpec((2, 16, N_PAD), lambda i: (0, 0, 0)),
        pl.BlockSpec((BN, 1), lambda i: (i, 0)),
        pl.BlockSpec((D, H), lambda i: (0, 0)),
        pl.BlockSpec((D, H), lambda i: (0, 0)),
        pl.BlockSpec((1, H), lambda i: (0, 0)),
        pl.BlockSpec((H, 1), lambda i: (0, 0)),
        pl.BlockSpec((1, 1), lambda i: (0, 0)),
    ],
    out_specs=pl.BlockSpec((G, 1), lambda i: (0, 0)),
    out_shape=jax.ShapeDtypeStruct((G, 1), jnp.float32),
    scratch_shapes=[pltpu.VMEM((G, H), jnp.float32),
                    pltpu.VMEM((N_PAD, NW), jnp.float32)],
)


def kernel(x, edge_index, batch, W_l, b_l, W_r, W2, b2):
    pad = E_PAD - E
    edge_p = jnp.concatenate(
        [edge_index,
         jnp.stack([jnp.zeros((pad,), jnp.int32),
                    jnp.full((pad,), PAD_DST, jnp.int32)])], axis=1)
    edge_p = edge_p.reshape(2, E_PAD // CHUNK, CHUNK)

    agg2 = _sc_aggregate(edge_p, x)
    deg2 = _sc_degree(edge_p)

    out = _tc_call(x, agg2, deg2, batch.reshape(N, 1), W_l, W_r,
                   b_l.reshape(1, H), W2, b2.reshape(1, 1))
    return out.reshape(-1)

# --- scband reference (transcript-rebuilt; emitter-appended) ---
"""Pipeline reference for scband-model-52140902973596 (READ-ONLY COPY).

The authoritative reference and input builder live on the scoring server;
editing this copy changes nothing except your own understanding.
"""

import jax, jax.numpy as jnp
import numpy as np

N = 10000
E = 320000
D = 128
H = 128
G = 64

def setup_inputs(seed: int = 0):
    key = jax.random.key(seed)
    ks = jax.random.split(key, 10)
    x = jax.random.normal(ks[0], (N, D), dtype=jnp.float32)
    edge_index = jax.random.randint(ks[1], (2, E), 0, N, dtype=jnp.int32)
    batch = jnp.sort(jax.random.randint(ks[2], (N,), 0, G, dtype=jnp.int32))
    W_l = jax.random.normal(ks[3], (D, H), dtype=jnp.float32) * 0.05
    b_l = jnp.zeros((H,), dtype=jnp.float32)
    W_r = jax.random.normal(ks[4], (D, H), dtype=jnp.float32) * 0.05
    W2 = jax.random.normal(ks[5], (H, 1), dtype=jnp.float32) * 0.05
    b2 = jnp.zeros((1,), dtype=jnp.float32)
    return {"x": x, "edge_index": edge_index, "batch": batch,
            "W_l": W_l, "b_l": b_l, "W_r": W_r, "W2": W2, "b2": b2}

def reference(x, edge_index, batch, W_l, b_l, W_r, W2, b2):
    # SAGEConv (mean aggregation): h = W_l * mean_{j in N(i)} x_j + b_l + W_r * x_i
    src = edge_index[0]
    dst = edge_index[1]
    msgs = jnp.take(x, src, axis=0)                                   # gather: [E, D]
    agg = jax.ops.segment_sum(msgs, dst, num_segments=N)              # scatter-add: [N, D]
    deg = jax.ops.segment_sum(jnp.ones((E,), dtype=jnp.float32), dst, num_segments=N)
    mean = agg / jnp.clip(deg, 1.0, None)[:, None]
    h = mean @ W_l + b_l + x @ W_r
    h = jax.nn.relu(h)
    # global max pool over graphs (gmp(x, data.batch))
    pooled = jax.ops.segment_max(h, batch, num_segments=G)            # [G, H]
    pooled = jnp.where(jnp.isfinite(pooled), pooled, 0.0)
    out = (pooled @ W2 + b2).reshape(-1)                              # lin2 -> [G]
    return out

if __name__ == "__main__":
    import jax
    _d = setup_inputs()
    print(jax.jit(kernel)(*tuple(_d.values())))

</pallas_src>

<mosaic_0001>
#map = affine_map<(d0, d1) -> (0, 0, 0)>
module attributes {stable_mosaic.version = 14 : i64} {
  func.func @_sc_degree(%arg0: i32, %arg1: i32, %arg2: memref<2x2560x128xi32, #tpu.memory_space<hbm>>, %arg3: memref<2x16x10112xf32, #tpu.memory_space<hbm>>, %arg4: memref<80x128xi32, #tpu.memory_space<vmem>>, %arg5: memref<10112xf32, #tpu.memory_space<vmem>>) attributes {dimension_semantics = [#tpu.dimension_semantics<core_parallel>, #tpu.dimension_semantics<subcore_parallel>], iteration_bounds = array<i64: 2, 16>, scalar_prefetch = 0 : i64, scratch_operands = 2 : i64, tpu.core_type = #tpu.core_type<sc_vector_subcore>, window_params = [{transform_indices = #map}, {transform_indices = #map}]} {
    %mul3A = arith.constant 16 : i32
    %mul3A_0 = arith.muli %arg0, %mul3A : i32
    %add3A = arith.addi %mul3A_0, %arg1 : i32
    %scan3A = arith.constant 0 : i32
    %scan3A_1 = arith.constant 0 : i32
    %scan3A_2 = arith.constant 79 : i32
    %scan3A_3 = arith.addi %scan3A_1, %scan3A_2 : i32
    %scan3A_4 = arith.constant 1 : i32
    scf.for %scan3A_15 = %scan3A_1 to %scan3A_3 step %scan3A_4  : i32 {
      %broadcast_in_dim3A_16 = arith.constant 0.000000e+00 : f32
      %broadcast_in_dim3A_17 = vector.broadcast %broadcast_in_dim3A_16 : f32 to vector<16xf32>
      %mul3A_18 = arith.constant 8 : i32
      %mul3A_19 = arith.muli %scan3A_15, %mul3A_18 : i32
      %add3A_20 = arith.constant 0 : i32
      %add3A_21 = arith.addi %mul3A_19, %add3A_20 : i32
      %mul3A_22 = arith.constant 16 : i32
      %mul3A_23 = arith.muli %add3A_21, %mul3A_22 : i32
      %swap3A = arith.index_cast %mul3A_23 : i32 to index
      %swap3A_24 = tpu.vector_load %arg5[%swap3A] {strides = array<i32>} : memref<10112xf32, #tpu.memory_space<vmem>>, vector<16xf32>,
      tpu.vector_store %arg5[%swap3A], %broadcast_in_dim3A_17 {strides = array<i32>} : memref<10112xf32, #tpu.memory_space<vmem>>, vector<16xf32>,
      %broadcast_in_dim3A_25 = arith.constant 0.000000e+00 : f32
      %broadcast_in_dim3A_26 = vector.broadcast %broadcast_in_dim3A_25 : f32 to vector<16xf32>
      %mul3A_27 = arith.constant 8 : i32
      %mul3A_28 = arith.muli %scan3A_15, %mul3A_27 : i32
      %add3A_29 = arith.constant 1 : i32
      %add3A_30 = arith.addi %mul3A_28, %add3A_29 : i32
      %mul3A_31 = arith.constant 16 : i32
      %mul3A_32 = arith.muli %add3A_30, %mul3A_31 : i32
      %swap3A_33 = arith.index_cast %mul3A_32 : i32 to index
      %swap3A_34 = tpu.vector_load %arg5[%swap3A_33] {strides = array<i32>} : memref<10112xf32, #tpu.memory_space<vmem>>, vector<16xf32>,
      tpu.vector_store %arg5[%swap3A_33], %broadcast_in_dim3A_26 {strides = array<i32>} : memref<10112xf32, #tpu.memory_space<vmem>>, vector<16xf32>,
      %broadcast_in_dim3A_35 = arith.constant 0.000000e+00 : f32
      %broadcast_in_dim3A_36 = vector.broadcast %broadcast_in_dim3A_35 : f32 to vector<16xf32>
      %mul3A_37 = arith.constant 8 : i32
      %mul3A_38 = arith.muli %scan3A_15, %mul3A_37 : i32
      %add3A_39 = arith.constant 2 : i32
      %add3A_40 = arith.addi %mul3A_38, %add3A_39 : i32
      %mul3A_41 = arith.constant 16 : i32
      %mul3A_42 = arith.muli %add3A_40, %mul3A_41 : i32
      %swap3A_43 = arith.index_cast %mul3A_42 : i32 to index
      %swap3A_44 = tpu.vector_load %arg5[%swap3A_43] {strides = array<i32>} : memref<10112xf32, #tpu.memory_space<vmem>>, vector<16xf32>,
      tpu.vector_store %arg5[%swap3A_43], %broadcast_in_dim3A_36 {strides = array<i32>} : memref<10112xf32, #tpu.memory_space<vmem>>, vector<16xf32>,
      %broadcast_in_dim3A_45 = arith.constant 0.000000e+00 : f32
      %broadcast_in_dim3A_46 = vector.broadcast %broadcast_in_dim3A_45 : f32 to vector<16xf32>
      %mul3A_47 = arith.constant 8 : i32
      %mul3A_48 = arith.muli %scan3A_15, %mul3A_47 : i32
      %add3A_49 = arith.constant 3 : i32
      %add3A_50 = arith.addi %mul3A_48, %add3A_49 : i32
      %mul3A_51 = arith.constant 16 : i32
      %mul3A_52 = arith.muli %add3A_50, %mul3A_51 : i32
      %swap3A_53 = arith.index_cast %mul3A_52 : i32 to index
      %swap3A_54 = tpu.vector_load %arg5[%swap3A_53] {strides = array<i32>} : memref<10112xf32, #tpu.memory_space<vmem>>, vector<16xf32>,
      tpu.vector_store %arg5[%swap3A_53], %broadcast_in_dim3A_46 {strides = array<i32>} : memref<10112xf32, #tpu.memory_space<vmem>>, vector<16xf32>,
      %broadcast_in_dim3A_55 = arith.constant 0.000000e+00 : f32
      %broadcast_in_dim3A_56 = vector.broadcast %broadcast_in_dim3A_55 : f32 to vector<16xf32>
      %mul3A_57 = arith.constant 8 : i32
      %mul3A_58 = arith.muli %scan3A_15, %mul3A_57 : i32
      %add3A_59 = arith.constant 4 : i32
      %add3A_60 = arith.addi %mul3A_58, %add3A_59 : i32
      %mul3A_61 = arith.constant 16 : i32
      %mul3A_62 = arith.muli %add3A_60, %mul3A_61 : i32
      %swap3A_63 = arith.index_cast %mul3A_62 : i32 to index
      %swap3A_64 = tpu.vector_load %arg5[%swap3A_63] {strides = array<i32>} : memref<10112xf32, #tpu.memory_space<vmem>>, vector<16xf32>,
      tpu.vector_store %arg5[%swap3A_63], %broadcast_in_dim3A_56 {strides = array<i32>} : memref<10112xf32, #tpu.memory_space<vmem>>, vector<16xf32>,
      %broadcast_in_dim3A_65 = arith.constant 0.000000e+00 : f32
      %broadcast_in_dim3A_66 = vector.broadcast %broadcast_in_dim3A_65 : f32 to vector<16xf32>
      %mul3A_67 = arith.constant 8 : i32
      %mul3A_68 = arith.muli %scan3A_15, %mul3A_67 : i32
      %add3A_69 = arith.constant 5 : i32
      %add3A_70 = arith.addi %mul3A_68, %add3A_69 : i32
      %mul3A_71 = arith.constant 16 : i32
      %mul3A_72 = arith.muli %add3A_70, %mul3A_71 : i32
      %swap3A_73 = arith.index_cast %mul3A_72 : i32 to index
      %swap3A_74 = tpu.vector_load %arg5[%swap3A_73] {strides = array<i32>} : memref<10112xf32, #tpu.memory_space<vmem>>, vector<16xf32>,
      tpu.vector_store %arg5[%swap3A_73], %broadcast_in_dim3A_66 {strides = array<i32>} : memref<10112xf32, #tpu.memory_space<vmem>>, vector<16xf32>,
      %broadcast_in_dim3A_75 = arith.constant 0.000000e+00 : f32
      %broadcast_in_dim3A_76 = vector.broadcast %broadcast_in_dim3A_75 : f32 to vector<16xf32>
      %mul3A_77 = arith.constant 8 : i32
      %mul3A_78 = arith.muli %scan3A_15, %mul3A_77 : i32
      %add3A_79 = arith.constant 6 : i32
      %add3A_80 = arith.addi %mul3A_78, %add3A_79 : i32
      %mul3A_81 = arith.constant 16 : i32
      %mul3A_82 = arith.muli %add3A_80, %mul3A_81 : i32
      %swap3A_83 = arith.index_cast %mul3A_82 : i32 to index
      %swap3A_84 = tpu.vector_load %arg5[%swap3A_83] {strides = array<i32>} : memref<10112xf32, #tpu.memory_space<vmem>>, vector<16xf32>,
      tpu.vector_store %arg5[%swap3A_83], %broadcast_in_dim3A_76 {strides = array<i32>} : memref<10112xf32, #tpu.memory_space<vmem>>, vector<16xf32>,
      %broadcast_in_dim3A_85 = arith.constant 0.000000e+00 : f32
      %broadcast_in_dim3A_86 = vector.broadcast %broadcast_in_dim3A_85 : f32 to vector<16xf32>
      %mul3A_87 = arith.constant 8 : i32
      %mul3A_88 = arith.muli %scan3A_15, %mul3A_87 : i32
      %add3A_89 = arith.constant 7 : i32
      %add3A_90 = arith.addi %mul3A_88, %add3A_89 : i32
      %mul3A_91 = arith.constant 16 : i32
      %mul3A_92 = arith.muli %add3A_90, %mul3A_91 : i32
      %swap3A_93 = arith.index_cast %mul3A_92 : i32 to index
      %swap3A_94 = tpu.vector_load %arg5[%swap3A_93] {strides = array<i32>} : memref<10112xf32, #tpu.memory_space<vmem>>, vector<16xf32>,
      tpu.vector_store %arg5[%swap3A_93], %broadcast_in_dim3A_86 {strides = array<i32>} : memref<10112xf32, #tpu.memory_space<vmem>>, vector<16xf32>,
    }
    %scan3A_5 = arith.constant 79 : i32
    %mul3A_6 = arith.constant 80 : i32
    %mul3A_7 = arith.muli %add3A, %mul3A_6 : i32
    %run_scoped3A = arith.constant 1 : i32
    "tpu.region"() ({
      %run_scoped3A_15 = tpu.sem_alloc : memref<!tpu.dma_semaphore, #tpu.memory_space<semaphore_mem>>
      %dma_start3A = arith.constant 0 : i32
      %dma_start3A_16 = tpu.memref_slice %arg2[%run_scoped3A, %mul3A_7, %dma_start3A] : memref<2x2560x128xi32, #tpu.memory_space<hbm>> -> memref<1x80x128xi32, #tpu.memory_space<hbm>>
      %dma_start3A_17 = tpu.memref_squeeze %dma_start3A_16 : memref<1x80x128xi32, #tpu.memory_space<hbm>> -> memref<80x128xi32, #tpu.memory_space<hbm>>
      %dma_start3A_18 = arith.constant 0 : i32
      %dma_start3A_19 = tpu.memref_slice %arg2[%run_scoped3A, %mul3A_7, %dma_start3A_18] : memref<2x2560x128xi32, #tpu.memory_space<hbm>> -> memref<1x80x128xi32, #tpu.memory_space<hbm>>
      %dma_start3A_20 = tpu.memref_squeeze %dma_start3A_19 : memref<1x80x128xi32, #tpu.memory_space<hbm>> -> memref<80x128xi32, #tpu.memory_space<hbm>>
      tpu.enqueue_dma source(%dma_start3A_20 : memref<80x128xi32, #tpu.memory_space<hbm>>) target(%arg4 : memref<80x128xi32, #tpu.memory_space<vmem>>) target_semaphore(%run_scoped3A_15 : memref<!tpu.dma_semaphore, #tpu.memory_space<semaphore_mem>>)
      %dma_wait3A = arith.constant 0 : i32
      %dma_wait3A_21 = tpu.memref_slice %arg2[%run_scoped3A, %mul3A_7, %dma_wait3A] : memref<2x2560x128xi32, #tpu.memory_space<hbm>> -> memref<1x80x128xi32, #tpu.memory_space<hbm>>
      %dma_wait3A_22 = tpu.memref_squeeze %dma_wait3A_21 : memref<1x80x128xi32, #tpu.memory_space<hbm>> -> memref<80x128xi32, #tpu.memory_space<hbm>>
      %dma_wait3A_23 = arith.constant 0 : i32
      %dma_wait3A_24 = tpu.memref_slice %arg2[%run_scoped3A, %mul3A_7, %dma_wait3A_23] : memref<2x2560x128xi32, #tpu.memory_space<hbm>> -> memref<1x80x128xi32, #tpu.memory_space<hbm>>
      %dma_wait3A_25 = tpu.memref_squeeze %dma_wait3A_24 : memref<1x80x128xi32, #tpu.memory_space<hbm>> -> memref<80x128xi32, #tpu.memory_space<hbm>>
      tpu.wait_dma2 semaphore(%run_scoped3A_15 : memref<!tpu.dma_semaphore, #tpu.memory_space<semaphore_mem>>) src(%dma_wait3A_25 : memref<80x128xi32, #tpu.memory_space<hbm>>) dst(%arg4 : memref<80x128xi32, #tpu.memory_space<vmem>>)
      tpu.yield
    }) : () -> ()
    %broadcast_in_dim3A = arith.constant 1.000000e+00 : f32
    %broadcast_in_dim3A_8 = vector.broadcast %broadcast_in_dim3A : f32 to vector<16xf32>
    %scan3A_9 = arith.constant 0 : i32
    %scan3A_10 = arith.constant 0 : i32
    %scan3A_11 = arith.constant 80 : i32
    %scan3A_12 = arith.addi %scan3A_10, %scan3A_11 : i32
    %scan3A_13 = arith.constant 1 : i32
    scf.for %scan3A_15 = %scan3A_10 to %scan3A_12 step %scan3A_13  : i32 {
      %get3A = arith.index_cast %scan3A_15 : i32 to index
      %get3A_16 = arith.constant 0 : index
      %get3A_17 = tpu.vector_load %arg4[%get3A, %get3A_16] {strides = array<i32>} : memref<80x128xi32, #tpu.memory_space<vmem>>, vector<16xi32>,
      tpu.vector_store_idx %arg5[%get3A_17], %broadcast_in_dim3A_8 {add = true} : memref<10112xf32, #tpu.memory_space<vmem>>[vector<16xi32>], vector<16xf32>,
      %get3A_18 = arith.index_cast %scan3A_15 : i32 to index
      %get3A_19 = arith.constant 16 : index
      %get3A_20 = tpu.vector_load %arg4[%get3A_18, %get3A_19] {strides = array<i32>} : memref<80x128xi32, #tpu.memory_space<vmem>>, vector<16xi32>,
      tpu.vector_store_idx %arg5[%get3A_20], %broadcast_in_dim3A_8 {add = true} : memref<10112xf32, #tpu.memory_space<vmem>>[vector<16xi32>], vector<16xf32>,
      %get3A_21 = arith.index_cast %scan3A_15 : i32 to index
      %get3A_22 = arith.constant 32 : index
      %get3A_23 = tpu.vector_load %arg4[%get3A_21, %get3A_22] {strides = array<i32>} : memref<80x128xi32, #tpu.memory_space<vmem>>, vector<16xi32>,
      tpu.vector_store_idx %arg5[%get3A_23], %broadcast_in_dim3A_8 {add = true} : memref<10112xf32, #tpu.memory_space<vmem>>[vector<16xi32>], vector<16xf32>,
      %get3A_24 = arith.index_cast %scan3A_15 : i32 to index
      %get3A_25 = arith.constant 48 : index
      %get3A_26 = tpu.vector_load %arg4[%get3A_24, %get3A_25] {strides = array<i32>} : memref<80x128xi32, #tpu.memory_space<vmem>>, vector<16xi32>,
      tpu.vector_store_idx %arg5[%get3A_26], %broadcast_in_dim3A_8 {add = true} : memref<10112xf32, #tpu.memory_space<vmem>>[vector<16xi32>], vector<16xf32>,
      %get3A_27 = arith.index_cast %scan3A_15 : i32 to index
      %get3A_28 = arith.constant 64 : index
      %get3A_29 = tpu.vector_load %arg4[%get3A_27, %get3A_28] {strides = array<i32>} : memref<80x128xi32, #tpu.memory_space<vmem>>, vector<16xi32>,
      tpu.vector_store_idx %arg5[%get3A_29], %broadcast_in_dim3A_8 {add = true} : memref<10112xf32, #tpu.memory_space<vmem>>[vector<16xi32>], vector<16xf32>,
      %get3A_30 = arith.index_cast %scan3A_15 : i32 to index
      %get3A_31 = arith.constant 80 : index
      %get3A_32 = tpu.vector_load %arg4[%get3A_30, %get3A_31] {strides = array<i32>} : memref<80x128xi32, #tpu.memory_space<vmem>>, vector<16xi32>,
      tpu.vector_store_idx %arg5[%get3A_32], %broadcast_in_dim3A_8 {add = true} : memref<10112xf32, #tpu.memory_space<vmem>>[vector<16xi32>], vector<16xf32>,
      %get3A_33 = arith.index_cast %scan3A_15 : i32 to index
      %get3A_34 = arith.constant 96 : index
      %get3A_35 = tpu.vector_load %arg4[%get3A_33, %get3A_34] {strides = array<i32>} : memref<80x128xi32, #tpu.memory_space<vmem>>, vector<16xi32>,
      tpu.vector_store_idx %arg5[%get3A_35], %broadcast_in_dim3A_8 {add = true} : memref<10112xf32, #tpu.memory_space<vmem>>[vector<16xi32>], vector<16xf32>,
      %get3A_36 = arith.index_cast %scan3A_15 : i32 to index
      %get3A_37 = arith.constant 112 : index
      %get3A_38 = tpu.vector_load %arg4[%get3A_36, %get3A_37] {strides = array<i32>} : memref<80x128xi32, #tpu.memory_space<vmem>>, vector<16xi32>,
      tpu.vector_store_idx %arg5[%get3A_38], %broadcast_in_dim3A_8 {add = true} : memref<10112xf32, #tpu.memory_space<vmem>>[vector<16xi32>], vector<16xf32>,
    }
    %scan3A_14 = arith.constant 80 : i32
    "tpu.region"() ({
      %run_scoped3A_15 = tpu.sem_alloc : memref<!tpu.dma_semaphore, #tpu.memory_space<semaphore_mem>>
      %dma_start3A = arith.constant 0 : i32
      %dma_start3A_16 = tpu.memref_slice %arg3[%arg0, %arg1, %dma_start3A] : memref<2x16x10112xf32, #tpu.memory_space<hbm>> -> memref<1x1x10112xf32, #tpu.memory_space<hbm>>
      %dma_start3A_17 = tpu.memref_squeeze %dma_start3A_16 : memref<1x1x10112xf32, #tpu.memory_space<hbm>> -> memref<10112xf32, #tpu.memory_space<hbm>>
      %dma_start3A_18 = arith.constant 0 : i32
      %dma_start3A_19 = tpu.memref_slice %arg3[%arg0, %arg1, %dma_start3A_18] : memref<2x16x10112xf32, #tpu.memory_space<hbm>> -> memref<1x1x10112xf32, #tpu.memory_space<hbm>>
      %dma_start3A_20 = tpu.memref_squeeze %dma_start3A_19 : memref<1x1x10112xf32, #tpu.memory_space<hbm>> -> memref<10112xf32, #tpu.memory_space<hbm>>
      tpu.enqueue_dma source(%arg5 : memref<10112xf32, #tpu.memory_space<vmem>>) target(%dma_start3A_20 : memref<10112xf32, #tpu.memory_space<hbm>>) target_semaphore(%run_scoped3A_15 : memref<!tpu.dma_semaphore, #tpu.memory_space<semaphore_mem>>)
      %dma_wait3A = arith.constant 0 : i32
      %dma_wait3A_21 = tpu.memref_slice %arg3[%arg0, %arg1, %dma_wait3A] : memref<2x16x10112xf32, #tpu.memory_space<hbm>> -> memref<1x1x10112xf32, #tpu.memory_space<hbm>>
      %dma_wait3A_22 = tpu.memref_squeeze %dma_wait3A_21 : memref<1x1x10112xf32, #tpu.memory_space<hbm>> -> memref<10112xf32, #tpu.memory_space<hbm>>
      %dma_wait3A_23 = arith.constant 0 : i32
      %dma_wait3A_24 = tpu.memref_slice %arg3[%arg0, %arg1, %dma_wait3A_23] : memref<2x16x10112xf32, #tpu.memory_space<hbm>> -> memref<1x1x10112xf32, #tpu.memory_space<hbm>>
      %dma_wait3A_25 = tpu.memref_squeeze %dma_wait3A_24 : memref<1x1x10112xf32, #tpu.memory_space<hbm>> -> memref<10112xf32, #tpu.memory_space<hbm>>
      tpu.wait_dma2 semaphore(%run_scoped3A_15 : memref<!tpu.dma_semaphore, #tpu.memory_space<semaphore_mem>>) src(%arg5 : memref<10112xf32, #tpu.memory_space<vmem>>) dst(%dma_wait3A_25 : memref<10112xf32, #tpu.memory_space<hbm>>)
      tpu.yield
    }) : () -> ()
    return
  }
}

#map = affine_map<(d0, d1) -> (0, 0, 0)>
#map1 = affine_map<(d0, d1) -> (0, 0)>
module attributes {stable_mosaic.version = 14 : i64} {
  func.func @_sc_aggregate(%arg0: i32, %arg1: i32, %arg2: memref<2x2560x128xi32, #tpu.memory_space<hbm>>, %arg3: memref<10000x128xf32, #tpu.memory_space<hbm>>, %arg4: memref<2x10112x128xf32, #tpu.memory_space<hbm>>, %arg5: memref<40x128xi32, #tpu.memory_space<vmem>>, %arg6: memref<40x128xi32, #tpu.memory_space<vmem>>, %arg7: memref<2x128x128xf32, #tpu.memory_space<vmem>>, %arg8: memref<10112x128xf32, #tpu.memory_space<vmem_shared>>, %arg9: memref<!tpu.dma_semaphore, #tpu.memory_space<semaphore_mem>>, %arg10: memref<!tpu.dma_semaphore, #tpu.memory_space<semaphore_mem>>) attributes {dimension_semantics = [#tpu.dimension_semantics<core_parallel>, #tpu.dimension_semantics<subcore_parallel>], iteration_bounds = array<i64: 2, 16>, scalar_prefetch = 0 : i64, scratch_operands = 6 : i64, tpu.core_type = #tpu.core_type<sc_vector_subcore>, window_params = [{transform_indices = #map}, {transform_indices = #map1}, {transform_indices = #map}]} {
    %mul3A = arith.constant 16 : i32
    %mul3A_0 = arith.muli %arg0, %mul3A : i32
    %add3A = arith.addi %mul3A_0, %arg1 : i32
    %scan3A = arith.constant 0 : i32
    %scan3A_1 = arith.constant 0 : i32
    %scan3A_2 = arith.constant 1024 : i32
    %scan3A_3 = arith.addi %scan3A_1, %scan3A_2 : i32
    %scan3A_4 = arith.constant 1 : i32
    scf.for %scan3A_103 = %scan3A_1 to %scan3A_3 step %scan3A_4  : i32 {
      %broadcast_in_dim3A = arith.constant 0.000000e+00 : f32
      %broadcast_in_dim3A_104 = vector.broadcast %broadcast_in_dim3A : f32 to vector<16xf32>
      %jit3A_105 = arith.constant 8 : i32
      %div3A = arith.divsi %scan3A_103, %jit3A_105 : i32
      %sign3A = arith.constant 0 : i32
      %sign3A_106 = arith.cmpi sgt, %scan3A_103, %sign3A : i32
      %sign3A_107 = arith.extui %sign3A_106 : i1 to i32
      %sign3A_108 = arith.constant 0 : i32
      %sign3A_109 = arith.cmpi slt, %scan3A_103, %sign3A_108 : i32
      %sign3A_110 = arith.extui %sign3A_109 : i1 to i32
      %sign3A_111 = arith.subi %sign3A_107, %sign3A_110 : i32
      %sign3A_112 = arith.constant 0 : i32
      %sign3A_113 = arith.cmpi sgt, %jit3A_105, %sign3A_112 : i32
      %sign3A_114 = arith.extui %sign3A_113 : i1 to i32
      %sign3A_115 = arith.constant 0 : i32
      %sign3A_116 = arith.cmpi slt, %jit3A_105, %sign3A_115 : i32
      %sign3A_117 = arith.extui %sign3A_116 : i1 to i32
      %sign3A_118 = arith.subi %sign3A_114, %sign3A_117 : i32
      %ne3A = arith.cmpi ne, %sign3A_111, %sign3A_118 : i32
      %rem3A = arith.remsi %scan3A_103, %jit3A_105 : i32
      %ne3A_119 = arith.constant 0 : i32
      %ne3A_120 = arith.cmpi ne, %rem3A, %ne3A_119 : i32
      %and3A = arith.andi %ne3A, %ne3A_120 : i1
      %sub3A_121 = arith.constant 1 : i32
      %sub3A_122 = arith.subi %div3A, %sub3A_121 : i32
      %select_n3A = arith.select %and3A, %sub3A_122, %div3A : i32
      %jit3A_123 = arith.constant 8 : i32
      %eq3A = arith.constant 0 : i32
      %eq3A_124 = arith.cmpi eq, %jit3A_123, %eq3A : i32
      %jit3A_125 = arith.constant 1 : i32
      %select_n3A_126 = arith.select %eq3A_124, %jit3A_125, %jit3A_123 : i32
      %rem3A_127 = arith.remsi %scan3A_103, %select_n3A_126 : i32
      %ne3A_128 = arith.constant 0 : i32
      %ne3A_129 = arith.cmpi ne, %rem3A_127, %ne3A_128 : i32
      %lt3A = arith.constant 0 : i32
      %lt3A_130 = arith.cmpi slt, %rem3A_127, %lt3A : i32
      %lt3A_131 = arith.constant 0 : i32
      %lt3A_132 = arith.cmpi slt, %select_n3A_126, %lt3A_131 : i32
      %ne3A_133 = arith.xori %lt3A_130, %lt3A_132 : i1
      %and3A_134 = arith.andi %ne3A_133, %ne3A_129 : i1
      %add3A_135 = arith.addi %rem3A_127, %select_n3A_126 : i32
      %select_n3A_136 = arith.select %and3A_134, %add3A_135, %rem3A_127 : i32
      %mul3A_137 = arith.constant 16 : i32
      %mul3A_138 = arith.muli %select_n3A_136, %mul3A_137 : i32
      %swap3A = arith.constant 0 : i32
      %swap3A_139 = arith.index_cast %swap3A : i32 to index
      %swap3A_140 = arith.index_cast %select_n3A : i32 to index
      %swap3A_141 = arith.index_cast %mul3A_138 : i32 to index
      %swap3A_142 = tpu.vector_load %arg7[%swap3A_139, %swap3A_140, %swap3A_141] {strides = array<i32>} : memref<2x128x128xf32, #tpu.memory_space<vmem>>, vector<1x1x16xf32>,
      %swap3A_143 = vector.shape_cast %swap3A_142 : vector<1x1x16xf32> to vector<16xf32>
      %swap3A_144 = vector.shape_cast %broadcast_in_dim3A_104 : vector<16xf32> to vector<1x1x16xf32>
      tpu.vector_store %arg7[%swap3A_139, %swap3A_140, %swap3A_141], %swap3A_144 {strides = array<i32>} : memref<2x128x128xf32, #tpu.memory_space<vmem>>, vector<1x1x16xf32>,
    }
    %scan3A_5 = arith.constant 1024 : i32
    %mul3A_6 = arith.constant 632 : i32
    %mul3A_7 = arith.muli %arg1, %mul3A_6 : i32
    %add3A_8 = arith.constant 0 : i32
    %add3A_9 = arith.addi %mul3A_7, %add3A_8 : i32
    %dma_start3A = arith.constant 0 : i32
    %dma_start3A_10 = arith.constant 0 : i32
    %dma_start3A_11 = arith.constant 0 : i32
    %dma_start3A_12 = tpu.memref_slice %arg7[%dma_start3A, %dma_start3A_10, %dma_start3A_11] : memref<2x128x128xf32, #tpu.memory_space<vmem>> -> memref<1x128x128xf32, #tpu.memory_space<vmem>>
    %dma_start3A_13 = tpu.memref_squeeze %dma_start3A_12 : memref<1x128x128xf32, #tpu.memory_space<vmem>> -> memref<128x128xf32, #tpu.memory_space<vmem>>
    %dma_start3A_14 = arith.constant 0 : i32
    %dma_start3A_15 = tpu.memref_slice %arg8[%add3A_9, %dma_start3A_14] : memref<10112x128xf32, #tpu.memory_space<vmem_shared>> -> memref<128x128xf32, #tpu.memory_space<vmem_shared>>
    %dma_start3A_16 = arith.constant 0 : i32
    %dma_start3A_17 = tpu.memref_slice %arg8[%add3A_9, %dma_start3A_16] : memref<10112x128xf32, #tpu.memory_space<vmem_shared>> -> memref<128x128xf32, #tpu.memory_space<vmem_shared>>
    %dma_start3A_18 = arith.constant 0 : i32
    %dma_start3A_19 = arith.constant 0 : i32
    %dma_start3A_20 = tpu.memref_slice %arg7[%dma_start3A, %dma_start3A_18, %dma_start3A_19] : memref<2x128x128xf32, #tpu.memory_space<vmem>> -> memref<1x128x128xf32, #tpu.memory_space<vmem>>
    %dma_start3A_21 = tpu.memref_squeeze %dma_start3A_20 : memref<1x128x128xf32, #tpu.memory_space<vmem>> -> memref<128x128xf32, #tpu.memory_space<vmem>>
    tpu.enqueue_dma source(%dma_start3A_21 : memref<128x128xf32, #tpu.memory_space<vmem>>) target(%dma_start3A_17 : memref<128x128xf32, #tpu.memory_space<vmem_shared>>) target_semaphore(%arg10 : memref<!tpu.dma_semaphore, #tpu.memory_space<semaphore_mem>>)
    %add3A_22 = arith.constant 128 : i32
    %add3A_23 = arith.addi %mul3A_7, %add3A_22 : i32
    %dma_start3A_24 = arith.constant 0 : i32
    %dma_start3A_25 = arith.constant 0 : i32
    %dma_start3A_26 = arith.constant 0 : i32
    %dma_start3A_27 = tpu.memref_slice %arg7[%dma_start3A_24, %dma_start3A_25, %dma_start3A_26] : memref<2x128x128xf32, #tpu.memory_space<vmem>> -> memref<1x128x128xf32, #tpu.memory_space<vmem>>
    %dma_start3A_28 = tpu.memref_squeeze %dma_start3A_27 : memref<1x128x128xf32, #tpu.memory_space<vmem>> -> memref<128x128xf32, #tpu.memory_space<vmem>>
    %dma_start3A_29 = arith.constant 0 : i32
    %dma_start3A_30 = tpu.memref_slice %arg8[%add3A_23, %dma_start3A_29] : memref<10112x128xf32, #tpu.memory_space<vmem_shared>> -> memref<128x128xf32, #tpu.memory_space<vmem_shared>>
    %dma_start3A_31 = arith.constant 0 : i32
    %dma_start3A_32 = tpu.memref_slice %arg8[%add3A_23, %dma_start3A_31] : memref<10112x128xf32, #tpu.memory_space<vmem_shared>> -> memref<128x128xf32, #tpu.memory_space<vmem_shared>>
    %dma_start3A_33 = arith.constant 0 : i32
    %dma_start3A_34 = arith.constant 0 : i32
    %dma_start3A_35 = tpu.memref_slice %arg7[%dma_start3A_24, %dma_start3A_33, %dma_start3A_34] : memref<2x128x128xf32, #tpu.memory_space<vmem>> -> memref<1x128x128xf32, #tpu.memory_space<vmem>>
    %dma_start3A_36 = tpu.memref_squeeze %dma_start3A_35 : memref<1x128x128xf32, #tpu.memory_space<vmem>> -> memref<128x128xf32, #tpu.memory_space<vmem>>
    tpu.enqueue_dma source(%dma_start3A_36 : memref<128x128xf32, #tpu.memory_space<vmem>>) target(%dma_start3A_32 : memref<128x128xf32, #tpu.memory_space<vmem_shared>>) target_semaphore(%arg10 : memref<!tpu.dma_semaphore, #tpu.memory_space<semaphore_mem>>)
    %add3A_37 = arith.constant 256 : i32
    %add3A_38 = arith.addi %mul3A_7, %add3A_37 : i32
    %dma_start3A_39 = arith.constant 0 : i32
    %dma_start3A_40 = arith.constant 0 : i32
    %dma_start3A_41 = arith.constant 0 : i32
    %dma_start3A_42 = tpu.memref_slice %arg7[%dma_start3A_39, %dma_start3A_40, %dma_start3A_41] : memref<2x128x128xf32, #tpu.memory_space<vmem>> -> memref<1x128x128xf32, #tpu.memory_space<vmem>>
    %dma_start3A_43 = tpu.memref_squeeze %dma_start3A_42 : memref<1x128x128xf32, #tpu.memory_space<vmem>> -> memref<128x128xf32, #tpu.memory_space<vmem>>
    %dma_start3A_44 = arith.constant 0 : i32
    %dma_start3A_45 = tpu.memref_slice %arg8[%add3A_38, %dma_start3A_44] : memref<10112x128xf32, #tpu.memory_space<vmem_shared>> -> memref<128x128xf32, #tpu.memory_space<vmem_shared>>
    %dma_start3A_46 = arith.constant 0 : i32
    %dma_start3A_47 = tpu.memref_slice %arg8[%add3A_38, %dma_start3A_46] : memref<10112x128xf32, #tpu.memory_space<vmem_shared>> -> memref<128x128xf32, #tpu.memory_space<vmem_shared>>
    %dma_start3A_48 = arith.constant 0 : i32
    %dma_start3A_49 = arith.constant 0 : i32
    %dma_start3A_50 = tpu.memref_slice %arg7[%dma_start3A_39, %dma_start3A_48, %dma_start3A_49] : memref<2x128x128xf32, #tpu.memory_space<vmem>> -> memref<1x128x128xf32, #tpu.memory_space<vmem>>
    %dma_start3A_51 = tpu.memref_squeeze %dma_start3A_50 : memref<1x128x128xf32, #tpu.memory_space<vmem>> -> memref<128x128xf32, #tpu.memory_space<vmem>>
    tpu.enqueue_dma source(%dma_start3A_51 : memref<128x128xf32, #tpu.memory_space<vmem>>) target(%dma_start3A_47 : memref<128x128xf32, #tpu.memory_space<vmem_shared>>) target_semaphore(%arg10 : memref<!tpu.dma_semaphore, #tpu.memory_space<semaphore_mem>>)
    %add3A_52 = arith.constant 384 : i32
    %add3A_53 = arith.addi %mul3A_7, %add3A_52 : i32
    %dma_start3A_54 = arith.constant 0 : i32
    %dma_start3A_55 = arith.constant 0 : i32
    %dma_start3A_56 = arith.constant 0 : i32
    %dma_start3A_57 = tpu.memref_slice %arg7[%dma_start3A_54, %dma_start3A_55, %dma_start3A_56] : memref<2x128x128xf32, #tpu.memory_space<vmem>> -> memref<1x128x128xf32, #tpu.memory_space<vmem>>
    %dma_start3A_58 = tpu.memref_squeeze %dma_start3A_57 : memref<1x128x128xf32, #tpu.memory_space<vmem>> -> memref<128x128xf32, #tpu.memory_space<vmem>>
    %dma_start3A_59 = arith.constant 0 : i32
    %dma_start3A_60 = tpu.memref_slice %arg8[%add3A_53, %dma_start3A_59] : memref<10112x128xf32, #tpu.memory_space<vmem_shared>> -> memref<128x128xf32, #tpu.memory_space<vmem_shared>>
    %dma_start3A_61 = arith.constant 0 : i32
    %dma_start3A_62 = tpu.memref_slice %arg8[%add3A_53, %dma_start3A_61] : memref<10112x128xf32, #tpu.memory_space<vmem_shared>> -> memref<128x128xf32, #tpu.memory_space<vmem_shared>>
    %dma_start3A_63 = arith.constant 0 : i32
    %dma_start3A_64 = arith.constant 0 : i32
    %dma_start3A_65 = tpu.memref_slice %arg7[%dma_start3A_54, %dma_start3A_63, %dma_start3A_64] : memref<2x128x128xf32, #tpu.memory_space<vmem>> -> memref<1x128x128xf32, #tpu.memory_space<vmem>>
    %dma_start3A_66 = tpu.memref_squeeze %dma_start3A_65 : memref<1x128x128xf32, #tpu.memory_space<vmem>> -> memref<128x128xf32, #tpu.memory_space<vmem>>
    tpu.enqueue_dma source(%dma_start3A_66 : memref<128x128xf32, #tpu.memory_space<vmem>>) target(%dma_start3A_62 : memref<128x128xf32, #tpu.memory_space<vmem_shared>>) target_semaphore(%arg10 : memref<!tpu.dma_semaphore, #tpu.memory_space<semaphore_mem>>)
    %add3A_67 = arith.constant 512 : i32
    %add3A_68 = arith.addi %mul3A_7, %add3A_67 : i32
    %dma_start3A_69 = arith.constant 0 : i32
    %dma_start3A_70 = arith.constant 0 : i32
    %dma_start3A_71 = arith.constant 0 : i32
    %dma_start3A_72 = tpu.memref_slice %arg7[%dma_start3A_69, %dma_start3A_70, %dma_start3A_71] : memref<2x128x128xf32, #tpu.memory_space<vmem>> -> memref<1x120x128xf32, #tpu.memory_space<vmem>>
    %dma_start3A_73 = tpu.memref_squeeze %dma_start3A_72 : memref<1x120x128xf32, #tpu.memory_space<vmem>> -> memref<120x128xf32, #tpu.memory_space<vmem>>
    %dma_start3A_74 = arith.constant 0 : i32
    %dma_start3A_75 = tpu.memref_slice %arg8[%add3A_68, %dma_start3A_74] : memref<10112x128xf32, #tpu.memory_space<vmem_shared>> -> memref<120x128xf32, #tpu.memory_space<vmem_shared>>
    %dma_start3A_76 = arith.constant 0 : i32
    %dma_start3A_77 = tpu.memref_slice %arg8[%add3A_68, %dma_start3A_76] : memref<10112x128xf32, #tpu.memory_space<vmem_shared>> -> memref<120x128xf32, #tpu.memory_space<vmem_shared>>
    %dma_start3A_78 = arith.constant 0 : i32
    %dma_start3A_79 = arith.constant 0 : i32
    %dma_start3A_80 = tpu.memref_slice %arg7[%dma_start3A_69, %dma_start3A_78, %dma_start3A_79] : memref<2x128x128xf32, #tpu.memory_space<vmem>> -> memref<1x120x128xf32, #tpu.memory_space<vmem>>
    %dma_start3A_81 = tpu.memref_squeeze %dma_start3A_80 : memref<1x120x128xf32, #tpu.memory_space<vmem>> -> memref<120x128xf32, #tpu.memory_space<vmem>>
    tpu.enqueue_dma source(%dma_start3A_81 : memref<120x128xf32, #tpu.memory_space<vmem>>) target(%dma_start3A_77 : memref<120x128xf32, #tpu.memory_space<vmem_shared>>) target_semaphore(%arg10 : memref<!tpu.dma_semaphore, #tpu.memory_space<semaphore_mem>>)
    %mul3A_82 = arith.constant 80 : i32
    %mul3A_83 = arith.muli %add3A, %mul3A_82 : i32
    %sub3A = arith.constant 2500 : i32
    %sub3A_84 = arith.subi %sub3A, %mul3A_83 : i32
    %min3A = arith.constant 80 : i32
    %min3A_85 = arith.minsi %min3A, %sub3A_84 : i32
    %sub3A_86 = arith.constant 0 : i32
    %sub3A_87 = arith.subi %min3A_85, %sub3A_86 : i32
    %jit3A = arith.constant 0 : i32
    %jit3A_88 = arith.constant 40 : i32
    %max3A = arith.maxsi %jit3A, %sub3A_87 : i32
    %min3A_89 = arith.minsi %jit3A_88, %max3A : i32
    %gt3A = arith.constant 0 : i32
    %gt3A_90 = arith.cmpi sgt, %min3A_89, %gt3A : i32
    %convert_element_type3A = arith.extui %gt3A_90 : i1 to i32
    %cond3A = arith.constant 0 : i32
    %cond3A_91 = arith.cmpi ne, %convert_element_type3A, %cond3A : i32
    scf.if %cond3A_91 {
      %add3A_103 = arith.constant 0 : i32
      %add3A_104 = arith.addi %mul3A_83, %add3A_103 : i32
      %run_scoped3A = arith.constant 0 : i32
      "tpu.region"() ({
        %run_scoped3A_219 = tpu.sem_alloc : memref<!tpu.dma_semaphore, #tpu.memory_space<semaphore_mem>>
        %dma_start3A_220 = arith.constant 0 : i32
        %dma_start3A_221 = tpu.memref_slice %arg2[%run_scoped3A, %add3A_104, %dma_start3A_220] : memref<2x2560x128xi32, #tpu.memory_space<hbm>> -> memref<1x40x128xi32, #tpu.memory_space<hbm>>
        %dma_start3A_222 = tpu.memref_squeeze %dma_start3A_221 : memref<1x40x128xi32, #tpu.memory_space<hbm>> -> memref<40x128xi32, #tpu.memory_space<hbm>>
        %dma_start3A_223 = arith.constant 0 : i32
        %dma_start3A_224 = tpu.memref_slice %arg2[%run_scoped3A, %add3A_104, %dma_start3A_223] : memref<2x2560x128xi32, #tpu.memory_space<hbm>> -> memref<1x40x128xi32, #tpu.memory_space<hbm>>
        %dma_start3A_225 = tpu.memref_squeeze %dma_start3A_224 : memref<1x40x128xi32, #tpu.memory_space<hbm>> -> memref<40x128xi32, #tpu.memory_space<hbm>>
        tpu.enqueue_dma source(%dma_start3A_225 : memref<40x128xi32, #tpu.memory_space<hbm>>) target(%arg5 : memref<40x128xi32, #tpu.memory_space<vmem>>) target_semaphore(%run_scoped3A_219 : memref<!tpu.dma_semaphore, #tpu.memory_space<semaphore_mem>>)
        %dma_wait3A_226 = arith.constant 0 : i32
        %dma_wait3A_227 = tpu.memref_slice %arg2[%run_scoped3A, %add3A_104, %dma_wait3A_226] : memref<2x2560x128xi32, #tpu.memory_space<hbm>> -> memref<1x40x128xi32, #tpu.memory_space<hbm>>
        %dma_wait3A_228 = tpu.memref_squeeze %dma_wait3A_227 : memref<1x40x128xi32, #tpu.memory_space<hbm>> -> memref<40x128xi32, #tpu.memory_space<hbm>>
        %dma_wait3A_229 = arith.constant 0 : i32
        %dma_wait3A_230 = tpu.memref_slice %arg2[%run_scoped3A, %add3A_104, %dma_wait3A_229] : memref<2x2560x128xi32, #tpu.memory_space<hbm>> -> memref<1x40x128xi32, #tpu.memory_space<hbm>>
        %dma_wait3A_231 = tpu.memref_squeeze %dma_wait3A_230 : memref<1x40x128xi32, #tpu.memory_space<hbm>> -> memref<40x128xi32, #tpu.memory_space<hbm>>
        tpu.wait_dma2 semaphore(%run_scoped3A_219 : memref<!tpu.dma_semaphore, #tpu.memory_space<semaphore_mem>>) src(%dma_wait3A_231 : memref<40x128xi32, #tpu.memory_space<hbm>>) dst(%arg5 : memref<40x128xi32, #tpu.memory_space<vmem>>)
        tpu.yield
      }) : () -> ()
      %add3A_105 = arith.constant 0 : i32
      %add3A_106 = arith.addi %mul3A_83, %add3A_105 : i32
      %run_scoped3A_107 = arith.constant 1 : i32
      "tpu.region"() ({
        %run_scoped3A_219 = tpu.sem_alloc : memref<!tpu.dma_semaphore, #tpu.memory_space<semaphore_mem>>
        %dma_start3A_220 = arith.constant 0 : i32
        %dma_start3A_221 = tpu.memref_slice %arg2[%run_scoped3A_107, %add3A_106, %dma_start3A_220] : memref<2x2560x128xi32, #tpu.memory_space<hbm>> -> memref<1x40x128xi32, #tpu.memory_space<hbm>>
        %dma_start3A_222 = tpu.memref_squeeze %dma_start3A_221 : memref<1x40x128xi32, #tpu.memory_space<hbm>> -> memref<40x128xi32, #tpu.memory_space<hbm>>
        %dma_start3A_223 = arith.constant 0 : i32
        %dma_start3A_224 = tpu.memref_slice %arg2[%run_scoped3A_107, %add3A_106, %dma_start3A_223] : memref<2x2560x128xi32, #tpu.memory_space<hbm>> -> memref<1x40x128xi32, #tpu.memory_space<hbm>>
        %dma_start3A_225 = tpu.memref_squeeze %dma_start3A_224 : memref<1x40x128xi32, #tpu.memory_space<hbm>> -> memref<40x128xi32, #tpu.memory_space<hbm>>
        tpu.enqueue_dma source(%dma_start3A_225 : memref<40x128xi32, #tpu.memory_space<hbm>>) target(%arg6 : memref<40x128xi32, #tpu.memory_space<vmem>>) target_semaphore(%run_scoped3A_219 : memref<!tpu.dma_semaphore, #tpu.memory_space<semaphore_mem>>)
        %dma_wait3A_226 = arith.constant 0 : i32
        %dma_wait3A_227 = tpu.memref_slice %arg2[%run_scoped3A_107, %add3A_106, %dma_wait3A_226] : memref<2x2560x128xi32, #tpu.memory_space<hbm>> -> memref<1x40x128xi32, #tpu.memory_space<hbm>>
        %dma_wait3A_228 = tpu.memref_squeeze %dma_wait3A_227 : memref<1x40x128xi32, #tpu.memory_space<hbm>> -> memref<40x128xi32, #tpu.memory_space<hbm>>
        %dma_wait3A_229 = arith.constant 0 : i32
        %dma_wait3A_230 = tpu.memref_slice %arg2[%run_scoped3A_107, %add3A_106, %dma_wait3A_229] : memref<2x2560x128xi32, #tpu.memory_space<hbm>> -> memref<1x40x128xi32, #tpu.memory_space<hbm>>
        %dma_wait3A_231 = tpu.memref_squeeze %dma_wait3A_230 : memref<1x40x128xi32, #tpu.memory_space<hbm>> -> memref<40x128xi32, #tpu.memory_space<hbm>>
        tpu.wait_dma2 semaphore(%run_scoped3A_219 : memref<!tpu.dma_semaphore, #tpu.memory_space<semaphore_mem>>) src(%dma_wait3A_231 : memref<40x128xi32, #tpu.memory_space<hbm>>) dst(%arg6 : memref<40x128xi32, #tpu.memory_space<vmem>>)
        tpu.yield
      }) : () -> ()
      %dma_wait3A = arith.constant 0 : i32
      %dma_wait3A_108 = arith.constant 0 : i32
      %dma_wait3A_109 = arith.constant 0 : i32
      %dma_wait3A_110 = tpu.memref_slice %arg7[%dma_wait3A, %dma_wait3A_108, %dma_wait3A_109] : memref<2x128x128xf32, #tpu.memory_space<vmem>> -> memref<1x128x128xf32, #tpu.memory_space<vmem>>
      %dma_wait3A_111 = tpu.memref_squeeze %dma_wait3A_110 : memref<1x128x128xf32, #tpu.memory_space<vmem>> -> memref<128x128xf32, #tpu.memory_space<vmem>>
      %dma_wait3A_112 = arith.constant 0 : i32
      %dma_wait3A_113 = arith.constant 0 : i32
      %dma_wait3A_114 = tpu.memref_slice %arg3[%dma_wait3A_112, %dma_wait3A_113] : memref<10000x128xf32, #tpu.memory_space<hbm>> -> memref<128x128xf32, #tpu.memory_space<hbm>>
      %dma_wait3A_115 = arith.constant 0 : i32
      %dma_wait3A_116 = arith.constant 0 : i32
      %dma_wait3A_117 = tpu.memref_slice %arg7[%dma_wait3A, %dma_wait3A_115, %dma_wait3A_116] : memref<2x128x128xf32, #tpu.memory_space<vmem>> -> memref<1x128x128xf32, #tpu.memory_space<vmem>>
      %dma_wait3A_118 = tpu.memref_squeeze %dma_wait3A_117 : memref<1x128x128xf32, #tpu.memory_space<vmem>> -> memref<128x128xf32, #tpu.memory_space<vmem>>
      %dma_wait3A_119 = arith.constant 0 : i32
      %dma_wait3A_120 = arith.constant 0 : i32
      %dma_wait3A_121 = tpu.memref_slice %arg3[%dma_wait3A_119, %dma_wait3A_120] : memref<10000x128xf32, #tpu.memory_space<hbm>> -> memref<128x128xf32, #tpu.memory_space<hbm>>
      tpu.wait_dma2 semaphore(%arg10 : memref<!tpu.dma_semaphore, #tpu.memory_space<semaphore_mem>>) src(%dma_wait3A_121 : memref<128x128xf32, #tpu.memory_space<hbm>>) dst(%dma_wait3A_118 : memref<128x128xf32, #tpu.memory_space<vmem>>)
      %dma_wait3A_122 = arith.constant 0 : i32
      %dma_wait3A_123 = arith.constant 0 : i32
      %dma_wait3A_124 = arith.constant 0 : i32
      %dma_wait3A_125 = tpu.memref_slice %arg7[%dma_wait3A_122, %dma_wait3A_123, %dma_wait3A_124] : memref<2x128x128xf32, #tpu.memory_space<vmem>> -> memref<1x128x128xf32, #tpu.memory_space<vmem>>
      %dma_wait3A_126 = tpu.memref_squeeze %dma_wait3A_125 : memref<1x128x128xf32, #tpu.memory_space<vmem>> -> memref<128x128xf32, #tpu.memory_space<vmem>>
      %dma_wait3A_127 = arith.constant 0 : i32
      %dma_wait3A_128 = arith.constant 0 : i32
      %dma_wait3A_129 = tpu.memref_slice %arg3[%dma_wait3A_127, %dma_wait3A_128] : memref<10000x128xf32, #tpu.memory_space<hbm>> -> memref<128x128xf32, #tpu.memory_space<hbm>>
      %dma_wait3A_130 = arith.constant 0 : i32
      %dma_wait3A_131 = arith.constant 0 : i32
      %dma_wait3A_132 = tpu.memref_slice %arg7[%dma_wait3A_122, %dma_wait3A_130, %dma_wait3A_131] : memref<2x128x128xf32, #tpu.memory_space<vmem>> -> memref<1x128x128xf32, #tpu.memory_space<vmem>>
      %dma_wait3A_133 = tpu.memref_squeeze %dma_wait3A_132 : memref<1x128x128xf32, #tpu.memory_space<vmem>> -> memref<128x128xf32, #tpu.memory_space<vmem>>
      %dma_wait3A_134 = arith.constant 0 : i32
      %dma_wait3A_135 = arith.constant 0 : i32
      %dma_wait3A_136 = tpu.memref_slice %arg3[%dma_wait3A_134, %dma_wait3A_135] : memref<10000x128xf32, #tpu.memory_space<hbm>> -> memref<128x128xf32, #tpu.memory_space<hbm>>
      tpu.wait_dma2 semaphore(%arg10 : memref<!tpu.dma_semaphore, #tpu.memory_space<semaphore_mem>>) src(%dma_wait3A_136 : memref<128x128xf32, #tpu.memory_space<hbm>>) dst(%dma_wait3A_133 : memref<128x128xf32, #tpu.memory_space<vmem>>)
      %dma_wait3A_137 = arith.constant 0 : i32
      %dma_wait3A_138 = arith.constant 0 : i32
      %dma_wait3A_139 = arith.constant 0 : i32
      %dma_wait3A_140 = tpu.memref_slice %arg7[%dma_wait3A_137, %dma_wait3A_138, %dma_wait3A_139] : memref<2x128x128xf32, #tpu.memory_space<vmem>> -> memref<1x128x128xf32, #tpu.memory_space<vmem>>
      %dma_wait3A_141 = tpu.memref_squeeze %dma_wait3A_140 : memref<1x128x128xf32, #tpu.memory_space<vmem>> -> memref<128x128xf32, #tpu.memory_space<vmem>>
      %dma_wait3A_142 = arith.constant 0 : i32
      %dma_wait3A_143 = arith.constant 0 : i32
      %dma_wait3A_144 = tpu.memref_slice %arg3[%dma_wait3A_142, %dma_wait3A_143] : memref<10000x128xf32, #tpu.memory_space<hbm>> -> memref<128x128xf32, #tpu.memory_space<hbm>>
      %dma_wait3A_145 = arith.constant 0 : i32
      %dma_wait3A_146 = arith.constant 0 : i32
      %dma_wait3A_147 = tpu.memref_slice %arg7[%dma_wait3A_137, %dma_wait3A_145, %dma_wait3A_146] : memref<2x128x128xf32, #tpu.memory_space<vmem>> -> memref<1x128x128xf32, #tpu.memory_space<vmem>>
      %dma_wait3A_148 = tpu.memref_squeeze %dma_wait3A_147 : memref<1x128x128xf32, #tpu.memory_space<vmem>> -> memref<128x128xf32, #tpu.memory_space<vmem>>
      %dma_wait3A_149 = arith.constant 0 : i32
      %dma_wait3A_150 = arith.constant 0 : i32
      %dma_wait3A_151 = tpu.memref_slice %arg3[%dma_wait3A_149, %dma_wait3A_150] : memref<10000x128xf32, #tpu.memory_space<hbm>> -> memref<128x128xf32, #tpu.memory_space<hbm>>
      tpu.wait_dma2 semaphore(%arg10 : memref<!tpu.dma_semaphore, #tpu.memory_space<semaphore_mem>>) src(%dma_wait3A_151 : memref<128x128xf32, #tpu.memory_space<hbm>>) dst(%dma_wait3A_148 : memref<128x128xf32, #tpu.memory_space<vmem>>)
      %dma_wait3A_152 = arith.constant 0 : i32
      %dma_wait3A_153 = arith.constant 0 : i32
      %dma_wait3A_154 = arith.constant 0 : i32
      %dma_wait3A_155 = tpu.memref_slice %arg7[%dma_wait3A_152, %dma_wait3A_153, %dma_wait3A_154] : memref<2x128x128xf32, #tpu.memory_space<vmem>> -> memref<1x128x128xf32, #tpu.memory_space<vmem>>
      %dma_wait3A_156 = tpu.memref_squeeze %dma_wait3A_155 : memref<1x128x128xf32, #tpu.memory_space<vmem>> -> memref<128x128xf32, #tpu.memory_space<vmem>>
      %dma_wait3A_157 = arith.constant 0 : i32
      %dma_wait3A_158 = arith.constant 0 : i32
      %dma_wait3A_159 = tpu.memref_slice %arg3[%dma_wait3A_157, %dma_wait3A_158] : memref<10000x128xf32, #tpu.memory_space<hbm>> -> memref<128x128xf32, #tpu.memory_space<hbm>>
      %dma_wait3A_160 = arith.constant 0 : i32
      %dma_wait3A_161 = arith.constant 0 : i32
      %dma_wait3A_162 = tpu.memref_slice %arg7[%dma_wait3A_152, %dma_wait3A_160, %dma_wait3A_161] : memref<2x128x128xf32, #tpu.memory_space<vmem>> -> memref<1x128x128xf32, #tpu.memory_space<vmem>>
      %dma_wait3A_163 = tpu.memref_squeeze %dma_wait3A_162 : memref<1x128x128xf32, #tpu.memory_space<vmem>> -> memref<128x128xf32, #tpu.memory_space<vmem>>
      %dma_wait3A_164 = arith.constant 0 : i32
      %dma_wait3A_165 = arith.constant 0 : i32
      %dma_wait3A_166 = tpu.memref_slice %arg3[%dma_wait3A_164, %dma_wait3A_165] : memref<10000x128xf32, #tpu.memory_space<hbm>> -> memref<128x128xf32, #tpu.memory_space<hbm>>
      tpu.wait_dma2 semaphore(%arg10 : memref<!tpu.dma_semaphore, #tpu.memory_space<semaphore_mem>>) src(%dma_wait3A_166 : memref<128x128xf32, #tpu.memory_space<hbm>>) dst(%dma_wait3A_163 : memref<128x128xf32, #tpu.memory_space<vmem>>)
      %dma_wait3A_167 = arith.constant 0 : i32
      %dma_wait3A_168 = arith.constant 0 : i32
      %dma_wait3A_169 = arith.constant 0 : i32
      %dma_wait3A_170 = tpu.memref_slice %arg7[%dma_wait3A_167, %dma_wait3A_168, %dma_wait3A_169] : memref<2x128x128xf32, #tpu.memory_space<vmem>> -> memref<1x120x128xf32, #tpu.memory_space<vmem>>
      %dma_wait3A_171 = tpu.memref_squeeze %dma_wait3A_170 : memref<1x120x128xf32, #tpu.memory_space<vmem>> -> memref<120x128xf32, #tpu.memory_space<vmem>>
      %dma_wait3A_172 = arith.constant 0 : i32
      %dma_wait3A_173 = arith.constant 0 : i32
      %dma_wait3A_174 = tpu.memref_slice %arg3[%dma_wait3A_172, %dma_wait3A_173] : memref<10000x128xf32, #tpu.memory_space<hbm>> -> memref<120x128xf32, #tpu.memory_space<hbm>>
      %dma_wait3A_175 = arith.constant 0 : i32
      %dma_wait3A_176 = arith.constant 0 : i32
      %dma_wait3A_177 = tpu.memref_slice %arg7[%dma_wait3A_167, %dma_wait3A_175, %dma_wait3A_176] : memref<2x128x128xf32, #tpu.memory_space<vmem>> -> memref<1x120x128xf32, #tpu.memory_space<vmem>>
      %dma_wait3A_178 = tpu.memref_squeeze %dma_wait3A_177 : memref<1x120x128xf32, #tpu.memory_space<vmem>> -> memref<120x128xf32, #tpu.memory_space<vmem>>
      %dma_wait3A_179 = arith.constant 0 : i32
      %dma_wait3A_180 = arith.constant 0 : i32
      %dma_wait3A_181 = tpu.memref_slice %arg3[%dma_wait3A_179, %dma_wait3A_180] : memref<10000x128xf32, #tpu.memory_space<hbm>> -> memref<120x128xf32, #tpu.memory_space<hbm>>
      tpu.wait_dma2 semaphore(%arg10 : memref<!tpu.dma_semaphore, #tpu.memory_space<semaphore_mem>>) src(%dma_wait3A_181 : memref<120x128xf32, #tpu.memory_space<hbm>>) dst(%dma_wait3A_178 : memref<120x128xf32, #tpu.memory_space<vmem>>)
      %barrier3A_182 = arith.constant 0 : index
      tpu.barrier barrier_id(%barrier3A_182)
      %dma_start3A_183 = arith.constant 0 : i32
      %dma_start3A_184 = arith.constant 0 : i32
      %dma_start3A_185 = arith.constant 0 : i32
      %dma_start3A_186 = arith.constant 0 : i32
      %dma_start3A_187 = tpu.memref_slice %arg7[%dma_start3A_184, %dma_start3A_185, %dma_start3A_186] : memref<2x128x128xf32, #tpu.memory_space<vmem>> -> memref<1x128x128xf32, #tpu.memory_space<vmem>>
      %dma_start3A_188 = tpu.memref_squeeze %dma_start3A_187 : memref<1x128x128xf32, #tpu.memory_space<vmem>> -> memref<128x128xf32, #tpu.memory_space<vmem>>
      %dma_start3A_189 = arith.constant 0 : i32
      %dma_start3A_190 = tpu.memref_slice %arg5[%dma_start3A_183, %dma_start3A_189] : memref<40x128xi32, #tpu.memory_space<vmem>> -> memref<1x128xi32, #tpu.memory_space<vmem>>
      %dma_start3A_191 = tpu.memref_squeeze %dma_start3A_190 : memref<1x128xi32, #tpu.memory_space<vmem>> -> memref<128xi32, #tpu.memory_space<vmem>>
      %dma_start3A_192 = arith.constant 0 : i32
      %dma_start3A_193 = arith.constant 0 : i32
      %dma_start3A_194 = tpu.memref_slice %arg3[%dma_start3A_192, %dma_start3A_193] : memref<10000x128xf32, #tpu.memory_space<hbm>> -> memref<10000x128xf32, #tpu.memory_space<hbm>>
      tpu.enqueue_indirect_dma source(%dma_start3A_194 : memref<10000x128xf32, #tpu.memory_space<hbm>>) target(%dma_start3A_188 : memref<128x128xf32, #tpu.memory_space<vmem>>) offsets(%dma_start3A_191 : memref<128xi32, #tpu.memory_space<vmem>>) semaphore(%arg9 : memref<!tpu.dma_semaphore, #tpu.memory_space<semaphore_mem>>)
      %while3A = arith.constant 0 : i32
      %while3A_195 = arith.constant 0 : i32
      %while3A_196 = arith.subi %min3A_89, %while3A_195 : i32
      %while3A_197 = arith.addi %while3A_195, %while3A_196 : i32
      %while3A_198 = arith.constant 1 : i32
      %while3A_199 = arith.divsi %while3A_196, %while3A_198 : i32
      %while3A_200 = arith.muli %while3A_199, %while3A_198 : i32
      %while3A_201 = arith.addi %while3A_195, %while3A_200 : i32
      %while3A_202 = arith.constant 1 : i32
      scf.for %while3A_219 = %while3A_195 to %while3A_201 step %while3A_202  : i32 {
        %jit3A_220 = arith.constant 2 : i32
        %eq3A = arith.constant 0 : i32
        %eq3A_221 = arith.cmpi eq, %jit3A_220, %eq3A : i32
        %jit3A_222 = arith.constant 1 : i32
        %select_n3A = arith.select %eq3A_221, %jit3A_222, %jit3A_220 : i32
        %rem3A = arith.remsi %while3A_219, %select_n3A : i32
        %ne3A = arith.constant 0 : i32
        %ne3A_223 = arith.cmpi ne, %rem3A, %ne3A : i32
        %lt3A = arith.constant 0 : i32
        %lt3A_224 = arith.cmpi slt, %rem3A, %lt3A : i32
        %lt3A_225 = arith.constant 0 : i32
        %lt3A_226 = arith.cmpi slt, %select_n3A, %lt3A_225 : i32
        %ne3A_227 = arith.xori %lt3A_224, %lt3A_226 : i1
        %and3A = arith.andi %ne3A_227, %ne3A_223 : i1
        %add3A_228 = arith.addi %rem3A, %select_n3A : i32
        %select_n3A_229 = arith.select %and3A, %add3A_228, %rem3A : i32
        %sub3A_230 = arith.constant 1 : i32
        %sub3A_231 = arith.subi %sub3A_230, %select_n3A_229 : i32
        %dma_wait3A_232 = arith.constant 0 : i32
        %dma_wait3A_233 = arith.constant 0 : i32
        %dma_wait3A_234 = tpu.memref_slice %arg7[%select_n3A_229, %dma_wait3A_232, %dma_wait3A_233] : memref<2x128x128xf32, #tpu.memory_space<vmem>> -> memref<1x128x128xf32, #tpu.memory_space<vmem>>
        %dma_wait3A_235 = tpu.memref_squeeze %dma_wait3A_234 : memref<1x128x128xf32, #tpu.memory_space<vmem>> -> memref<128x128xf32, #tpu.memory_space<vmem>>
        %dma_wait3A_236 = arith.constant 0 : i32
        %dma_wait3A_237 = arith.constant 0 : i32
        %dma_wait3A_238 = tpu.memref_slice %arg3[%dma_wait3A_236, %dma_wait3A_237] : memref<10000x128xf32, #tpu.memory_space<hbm>> -> memref<128x128xf32, #tpu.memory_space<hbm>>
        %dma_wait3A_239 = arith.constant 0 : i32
        %dma_wait3A_240 = arith.constant 0 : i32
        %dma_wait3A_241 = tpu.memref_slice %arg7[%select_n3A_229, %dma_wait3A_239, %dma_wait3A_240] : memref<2x128x128xf32, #tpu.memory_space<vmem>> -> memref<1x128x128xf32, #tpu.memory_space<vmem>>
        %dma_wait3A_242 = tpu.memref_squeeze %dma_wait3A_241 : memref<1x128x128xf32, #tpu.memory_space<vmem>> -> memref<128x128xf32, #tpu.memory_space<vmem>>
        %dma_wait3A_243 = arith.constant 0 : i32
        %dma_wait3A_244 = arith.constant 0 : i32
        %dma_wait3A_245 = tpu.memref_slice %arg3[%dma_wait3A_243, %dma_wait3A_244] : memref<10000x128xf32, #tpu.memory_space<hbm>> -> memref<128x128xf32, #tpu.memory_space<hbm>>
        tpu.wait_dma2 semaphore(%arg9 : memref<!tpu.dma_semaphore, #tpu.memory_space<semaphore_mem>>) src(%dma_wait3A_245 : memref<128x128xf32, #tpu.memory_space<hbm>>) dst(%dma_wait3A_242 : memref<128x128xf32, #tpu.memory_space<vmem>>)
        %ge3A = arith.constant 1 : i32
        %ge3A_246 = arith.cmpi sge, %while3A_219, %ge3A : i32
        %convert_element_type3A_247 = arith.extui %ge3A_246 : i1 to i32
        %cond3A_248 = arith.constant 0 : i32
        %cond3A_249 = arith.cmpi ne, %convert_element_type3A_247, %cond3A_248 : i32
        scf.if %cond3A_249 {
          %dma_wait3A_266 = arith.constant 0 : i32
          %dma_wait3A_267 = arith.constant 0 : i32
          %dma_wait3A_268 = tpu.memref_slice %arg7[%sub3A_231, %dma_wait3A_266, %dma_wait3A_267] : memref<2x128x128xf32, #tpu.memory_space<vmem>> -> memref<1x128x128xf32, #tpu.memory_space<vmem>>
          %dma_wait3A_269 = tpu.memref_squeeze %dma_wait3A_268 : memref<1x128x128xf32, #tpu.memory_space<vmem>> -> memref<128x128xf32, #tpu.memory_space<vmem>>
          %dma_wait3A_270 = arith.constant 0 : i32
          %dma_wait3A_271 = arith.constant 0 : i32
          %dma_wait3A_272 = tpu.memref_slice %arg3[%dma_wait3A_270, %dma_wait3A_271] : memref<10000x128xf32, #tpu.memory_space<hbm>> -> memref<128x128xf32, #tpu.memory_space<hbm>>
          %dma_wait3A_273 = arith.constant 0 : i32
          %dma_wait3A_274 = arith.constant 0 : i32
          %dma_wait3A_275 = tpu.memref_slice %arg7[%sub3A_231, %dma_wait3A_273, %dma_wait3A_274] : memref<2x128x128xf32, #tpu.memory_space<vmem>> -> memref<1x128x128xf32, #tpu.memory_space<vmem>>
          %dma_wait3A_276 = tpu.memref_squeeze %dma_wait3A_275 : memref<1x128x128xf32, #tpu.memory_space<vmem>> -> memref<128x128xf32, #tpu.memory_space<vmem>>
          %dma_wait3A_277 = arith.constant 0 : i32
          %dma_wait3A_278 = arith.constant 0 : i32
          %dma_wait3A_279 = tpu.memref_slice %arg3[%dma_wait3A_277, %dma_wait3A_278] : memref<10000x128xf32, #tpu.memory_space<hbm>> -> memref<128x128xf32, #tpu.memory_space<hbm>>
          tpu.wait_dma2 semaphore(%arg10 : memref<!tpu.dma_semaphore, #tpu.memory_space<semaphore_mem>>) src(%dma_wait3A_279 : memref<128x128xf32, #tpu.memory_space<hbm>>) dst(%dma_wait3A_276 : memref<128x128xf32, #tpu.memory_space<vmem>>)
        } else {
        }
        %add3A_250 = arith.constant 1 : i32
        %add3A_251 = arith.addi %while3A_219, %add3A_250 : i32
        %lt3A_252 = arith.cmpi slt, %add3A_251, %min3A_89 : i32
        %convert_element_type3A_253 = arith.extui %lt3A_252 : i1 to i32
        %cond3A_254 = arith.constant 0 : i32
        %cond3A_255 = arith.cmpi ne, %convert_element_type3A_253, %cond3A_254 : i32
        scf.if %cond3A_255 {
          %add3A_266 = arith.constant 1 : i32
          %add3A_267 = arith.addi %while3A_219, %add3A_266 : i32
          %dma_start3A_268 = arith.constant 0 : i32
          %dma_start3A_269 = arith.constant 0 : i32
          %dma_start3A_270 = tpu.memref_slice %arg7[%sub3A_231, %dma_start3A_268, %dma_start3A_269] : memref<2x128x128xf32, #tpu.memory_space<vmem>> -> memref<1x128x128xf32, #tpu.memory_space<vmem>>
          %dma_start3A_271 = tpu.memref_squeeze %dma_start3A_270 : memref<1x128x128xf32, #tpu.memory_space<vmem>> -> memref<128x128xf32, #tpu.memory_space<vmem>>
          %dma_start3A_272 = arith.constant 0 : i32
          %dma_start3A_273 = tpu.memref_slice %arg5[%add3A_267, %dma_start3A_272] : memref<40x128xi32, #tpu.memory_space<vmem>> -> memref<1x128xi32, #tpu.memory_space<vmem>>
          %dma_start3A_274 = tpu.memref_squeeze %dma_start3A_273 : memref<1x128xi32, #tpu.memory_space<vmem>> -> memref<128xi32, #tpu.memory_space<vmem>>
          %dma_start3A_275 = arith.constant 0 : i32
          %dma_start3A_276 = arith.constant 0 : i32
          %dma_start3A_277 = tpu.memref_slice %arg3[%dma_start3A_275, %dma_start3A_276] : memref<10000x128xf32, #tpu.memory_space<hbm>> -> memref<10000x128xf32, #tpu.memory_space<hbm>>
          tpu.enqueue_indirect_dma source(%dma_start3A_277 : memref<10000x128xf32, #tpu.memory_space<hbm>>) target(%dma_start3A_271 : memref<128x128xf32, #tpu.memory_space<vmem>>) offsets(%dma_start3A_274 : memref<128xi32, #tpu.memory_space<vmem>>) semaphore(%arg9 : memref<!tpu.dma_semaphore, #tpu.memory_space<semaphore_mem>>)
        } else {
        }
        %dma_start3A_256 = arith.constant 0 : i32
        %dma_start3A_257 = arith.constant 0 : i32
        %dma_start3A_258 = tpu.memref_slice %arg7[%select_n3A_229, %dma_start3A_256, %dma_start3A_257] : memref<2x128x128xf32, #tpu.memory_space<vmem>> -> memref<1x128x128xf32, #tpu.memory_space<vmem>>
        %dma_start3A_259 = tpu.memref_squeeze %dma_start3A_258 : memref<1x128x128xf32, #tpu.memory_space<vmem>> -> memref<128x128xf32, #tpu.memory_space<vmem>>
        %dma_start3A_260 = arith.constant 0 : i32
        %dma_start3A_261 = tpu.memref_slice %arg6[%while3A_219, %dma_start3A_260] : memref<40x128xi32, #tpu.memory_space<vmem>> -> memref<1x128xi32, #tpu.memory_space<vmem>>
        %dma_start3A_262 = tpu.memref_squeeze %dma_start3A_261 : memref<1x128xi32, #tpu.memory_space<vmem>> -> memref<128xi32, #tpu.memory_space<vmem>>
        %dma_start3A_263 = arith.constant 0 : i32
        %dma_start3A_264 = arith.constant 0 : i32
        %dma_start3A_265 = tpu.memref_slice %arg8[%dma_start3A_263, %dma_start3A_264] : memref<10112x128xf32, #tpu.memory_space<vmem_shared>> -> memref<10112x128xf32, #tpu.memory_space<vmem_shared>>
        tpu.enqueue_indirect_dma source(%dma_start3A_259 : memref<128x128xf32, #tpu.memory_space<vmem>>) target(%dma_start3A_265 : memref<10112x128xf32, #tpu.memory_space<vmem_shared>>) offsets(%dma_start3A_262 : memref<128xi32, #tpu.memory_space<vmem>>) semaphore(%arg10 : memref<!tpu.dma_semaphore, #tpu.memory_space<semaphore_mem>>) {add = true}
      }
      %while3A_203 = arith.constant 1 : i32
      scf.for %while3A_219 = %while3A_201 to %while3A_197 step %while3A_203  : i32 {
        %jit3A_220 = arith.constant 2 : i32
        %eq3A = arith.constant 0 : i32
        %eq3A_221 = arith.cmpi eq, %jit3A_220, %eq3A : i32
        %jit3A_222 = arith.constant 1 : i32
        %select_n3A = arith.select %eq3A_221, %jit3A_222, %jit3A_220 : i32
        %rem3A = arith.remsi %while3A_219, %select_n3A : i32
        %ne3A = arith.constant 0 : i32
        %ne3A_223 = arith.cmpi ne, %rem3A, %ne3A : i32
        %lt3A = arith.constant 0 : i32
        %lt3A_224 = arith.cmpi slt, %rem3A, %lt3A : i32
        %lt3A_225 = arith.constant 0 : i32
        %lt3A_226 = arith.cmpi slt, %select_n3A, %lt3A_225 : i32
        %ne3A_227 = arith.xori %lt3A_224, %lt3A_226 : i1
        %and3A = arith.andi %ne3A_227, %ne3A_223 : i1
        %add3A_228 = arith.addi %rem3A, %select_n3A : i32
        %select_n3A_229 = arith.select %and3A, %add3A_228, %rem3A : i32
        %sub3A_230 = arith.constant 1 : i32
        %sub3A_231 = arith.subi %sub3A_230, %select_n3A_229 : i32
        %dma_wait3A_232 = arith.constant 0 : i32
        %dma_wait3A_233 = arith.constant 0 : i32
        %dma_wait3A_234 = tpu.memref_slice %arg7[%select_n3A_229, %dma_wait3A_232, %dma_wait3A_233] : memref<2x128x128xf32, #tpu.memory_space<vmem>> -> memref<1x128x128xf32, #tpu.memory_space<vmem>>
        %dma_wait3A_235 = tpu.memref_squeeze %dma_wait3A_234 : memref<1x128x128xf32, #tpu.memory_space<vmem>> -> memref<128x128xf32, #tpu.memory_space<vmem>>
        %dma_wait3A_236 = arith.constant 0 : i32
        %dma_wait3A_237 = arith.constant 0 : i32
        %dma_wait3A_238 = tpu.memref_slice %arg3[%dma_wait3A_236, %dma_wait3A_237] : memref<10000x128xf32, #tpu.memory_space<hbm>> -> memref<128x128xf32, #tpu.memory_space<hbm>>
        %dma_wait3A_239 = arith.constant 0 : i32
        %dma_wait3A_240 = arith.constant 0 : i32
        %dma_wait3A_241 = tpu.memref_slice %arg7[%select_n3A_229, %dma_wait3A_239, %dma_wait3A_240] : memref<2x128x128xf32, #tpu.memory_space<vmem>> -> memref<1x128x128xf32, #tpu.memory_space<vmem>>
        %dma_wait3A_242 = tpu.memref_squeeze %dma_wait3A_241 : memref<1x128x128xf32, #tpu.memory_space<vmem>> -> memref<128x128xf32, #tpu.memory_space<vmem>>
        %dma_wait3A_243 = arith.constant 0 : i32
        %dma_wait3A_244 = arith.constant 0 : i32
        %dma_wait3A_245 = tpu.memref_slice %arg3[%dma_wait3A_243, %dma_wait3A_244] : memref<10000x128xf32, #tpu.memory_space<hbm>> -> memref<128x128xf32, #tpu.memory_space<hbm>>
        tpu.wait_dma2 semaphore(%arg9 : memref<!tpu.dma_semaphore, #tpu.memory_space<semaphore_mem>>) src(%dma_wait3A_245 : memref<128x128xf32, #tpu.memory_space<hbm>>) dst(%dma_wait3A_242 : memref<128x128xf32, #tpu.memory_space<vmem>>)
        %ge3A = arith.constant 1 : i32
        %ge3A_246 = arith.cmpi sge, %while3A_219, %ge3A : i32
        %convert_element_type3A_247 = arith.extui %ge3A_246 : i1 to i32
        %cond3A_248 = arith.constant 0 : i32
        %cond3A_249 = arith.cmpi ne, %convert_element_type3A_247, %cond3A_248 : i32
        scf.if %cond3A_249 {
          %dma_wait3A_266 = arith.constant 0 : i32
          %dma_wait3A_267 = arith.constant 0 : i32
          %dma_wait3A_268 = tpu.memref_slice %arg7[%sub3A_231, %dma_wait3A_266, %dma_wait3A_267] : memref<2x128x128xf32, #tpu.memory_space<vmem>> -> memref<1x128x128xf32, #tpu.memory_space<vmem>>
          %dma_wait3A_269 = tpu.memref_squeeze %dma_wait3A_268 : memref<1x128x128xf32, #tpu.memory_space<vmem>> -> memref<128x128xf32, #tpu.memory_space<vmem>>
          %dma_wait3A_270 = arith.constant 0 : i32
          %dma_wait3A_271 = arith.constant 0 : i32
          %dma_wait3A_272 = tpu.memref_slice %arg3[%dma_wait3A_270, %dma_wait3A_271] : memref<10000x128xf32, #tpu.memory_space<hbm>> -> memref<128x128xf32, #tpu.memory_space<hbm>>
          %dma_wait3A_273 = arith.constant 0 : i32
          %dma_wait3A_274 = arith.constant 0 : i32
          %dma_wait3A_275 = tpu.memref_slice %arg7[%sub3A_231, %dma_wait3A_273, %dma_wait3A_274] : memref<2x128x128xf32, #tpu.memory_space<vmem>> -> memref<1x128x128xf32, #tpu.memory_space<vmem>>
          %dma_wait3A_276 = tpu.memref_squeeze %dma_wait3A_275 : memref<1x128x128xf32, #tpu.memory_space<vmem>> -> memref<128x128xf32, #tpu.memory_space<vmem>>
          %dma_wait3A_277 = arith.constant 0 : i32
          %dma_wait3A_278 = arith.constant 0 : i32
          %dma_wait3A_279 = tpu.memref_slice %arg3[%dma_wait3A_277, %dma_wait3A_278] : memref<10000x128xf32, #tpu.memory_space<hbm>> -> memref<128x128xf32, #tpu.memory_space<hbm>>
          tpu.wait_dma2 semaphore(%arg10 : memref<!tpu.dma_semaphore, #tpu.memory_space<semaphore_mem>>) src(%dma_wait3A_279 : memref<128x128xf32, #tpu.memory_space<hbm>>) dst(%dma_wait3A_276 : memref<128x128xf32, #tpu.memory_space<vmem>>)
        } else {
        }
        %add3A_250 = arith.constant 1 : i32
        %add3A_251 = arith.addi %while3A_219, %add3A_250 : i32
        %lt3A_252 = arith.cmpi slt, %add3A_251, %min3A_89 : i32
        %convert_element_type3A_253 = arith.extui %lt3A_252 : i1 to i32
        %cond3A_254 = arith.constant 0 : i32
        %cond3A_255 = arith.cmpi ne, %convert_element_type3A_253, %cond3A_254 : i32
        scf.if %cond3A_255 {
          %add3A_266 = arith.constant 1 : i32
          %add3A_267 = arith.addi %while3A_219, %add3A_266 : i32
          %dma_start3A_268 = arith.constant 0 : i32
          %dma_start3A_269 = arith.constant 0 : i32
          %dma_start3A_270 = tpu.memref_slice %arg7[%sub3A_231, %dma_start3A_268, %dma_start3A_269] : memref<2x128x128xf32, #tpu.memory_space<vmem>> -> memref<1x128x128xf32, #tpu.memory_space<vmem>>
          %dma_start3A_271 = tpu.memref_squeeze %dma_start3A_270 : memref<1x128x128xf32, #tpu.memory_space<vmem>> -> memref<128x128xf32, #tpu.memory_space<vmem>>
          %dma_start3A_272 = arith.constant 0 : i32
          %dma_start3A_273 = tpu.memref_slice %arg5[%add3A_267, %dma_start3A_272] : memref<40x128xi32, #tpu.memory_space<vmem>> -> memref<1x128xi32, #tpu.memory_space<vmem>>
          %dma_start3A_274 = tpu.memref_squeeze %dma_start3A_273 : memref<1x128xi32, #tpu.memory_space<vmem>> -> memref<128xi32, #tpu.memory_space<vmem>>
          %dma_start3A_275 = arith.constant 0 : i32
          %dma_start3A_276 = arith.constant 0 : i32
          %dma_start3A_277 = tpu.memref_slice %arg3[%dma_start3A_275, %dma_start3A_276] : memref<10000x128xf32, #tpu.memory_space<hbm>> -> memref<10000x128xf32, #tpu.memory_space<hbm>>
          tpu.enqueue_indirect_dma source(%dma_start3A_277 : memref<10000x128xf32, #tpu.memory_space<hbm>>) target(%dma_start3A_271 : memref<128x128xf32, #tpu.memory_space<vmem>>) offsets(%dma_start3A_274 : memref<128xi32, #tpu.memory_space<vmem>>) semaphore(%arg9 : memref<!tpu.dma_semaphore, #tpu.memory_space<semaphore_mem>>)
        } else {
        }
        %dma_start3A_256 = arith.constant 0 : i32
        %dma_start3A_257 = arith.constant 0 : i32
        %dma_start3A_258 = tpu.memref_slice %arg7[%select_n3A_229, %dma_start3A_256, %dma_start3A_257] : memref<2x128x128xf32, #tpu.memory_space<vmem>> -> memref<1x128x128xf32, #tpu.memory_space<vmem>>
        %dma_start3A_259 = tpu.memref_squeeze %dma_start3A_258 : memref<1x128x128xf32, #tpu.memory_space<vmem>> -> memref<128x128xf32, #tpu.memory_space<vmem>>
        %dma_start3A_260 = arith.constant 0 : i32
        %dma_start3A_261 = tpu.memref_slice %arg6[%while3A_219, %dma_start3A_260] : memref<40x128xi32, #tpu.memory_space<vmem>> -> memref<1x128xi32, #tpu.memory_space<vmem>>
        %dma_start3A_262 = tpu.memref_squeeze %dma_start3A_261 : memref<1x128xi32, #tpu.memory_space<vmem>> -> memref<128xi32, #tpu.memory_space<vmem>>
        %dma_start3A_263 = arith.constant 0 : i32
        %dma_start3A_264 = arith.constant 0 : i32
        %dma_start3A_265 = tpu.memref_slice %arg8[%dma_start3A_263, %dma_start3A_264] : memref<10112x128xf32, #tpu.memory_space<vmem_shared>> -> memref<10112x128xf32, #tpu.memory_space<vmem_shared>>
        tpu.enqueue_indirect_dma source(%dma_start3A_259 : memref<128x128xf32, #tpu.memory_space<vmem>>) target(%dma_start3A_265 : memref<10112x128xf32, #tpu.memory_space<vmem_shared>>) offsets(%dma_start3A_262 : memref<128xi32, #tpu.memory_space<vmem>>) semaphore(%arg10 : memref<!tpu.dma_semaphore, #tpu.memory_space<semaphore_mem>>) {add = true}
      }
      %dma_wait3A_204 = arith.constant 0 : i32
      %dma_wait3A_205 = arith.constant 0 : i32
      %dma_wait3A_206 = arith.constant 0 : i32
      %dma_wait3A_207 = tpu.memref_slice %arg7[%dma_wait3A_204, %dma_wait3A_205, %dma_wait3A_206] : memref<2x128x128xf32, #tpu.memory_space<vmem>> -> memref<1x128x128xf32, #tpu.memory_space<vmem>>
      %dma_wait3A_208 = tpu.memref_squeeze %dma_wait3A_207 : memref<1x128x128xf32, #tpu.memory_space<vmem>> -> memref<128x128xf32, #tpu.memory_space<vmem>>
      %dma_wait3A_209 = arith.constant 0 : i32
      %dma_wait3A_210 = arith.constant 0 : i32
      %dma_wait3A_211 = tpu.memref_slice %arg3[%dma_wait3A_209, %dma_wait3A_210] : memref<10000x128xf32, #tpu.memory_space<hbm>> -> memref<128x128xf32, #tpu.memory_space<hbm>>
      %dma_wait3A_212 = arith.constant 0 : i32
      %dma_wait3A_213 = arith.constant 0 : i32
      %dma_wait3A_214 = tpu.memref_slice %arg7[%dma_wait3A_204, %dma_wait3A_212, %dma_wait3A_213] : memref<2x128x128xf32, #tpu.memory_space<vmem>> -> memref<1x128x128xf32, #tpu.memory_space<vmem>>
      %dma_wait3A_215 = tpu.memref_squeeze %dma_wait3A_214 : memref<1x128x128xf32, #tpu.memory_space<vmem>> -> memref<128x128xf32, #tpu.memory_space<vmem>>
      %dma_wait3A_216 = arith.constant 0 : i32
      %dma_wait3A_217 = arith.constant 0 : i32
      %dma_wait3A_218 = tpu.memref_slice %arg3[%dma_wait3A_216, %dma_wait3A_217] : memref<10000x128xf32, #tpu.memory_space<hbm>> -> memref<128x128xf32, #tpu.memory_space<hbm>>
      tpu.wait_dma2 semaphore(%arg10 : memref<!tpu.dma_semaphore, #tpu.memory_space<semaphore_mem>>) src(%dma_wait3A_218 : memref<128x128xf32, #tpu.memory_space<hbm>>) dst(%dma_wait3A_215 : memref<128x128xf32, #tpu.memory_space<vmem>>)
    } else {
    }
    %sub3A_92 = arith.constant 40 : i32
    %sub3A_93 = arith.subi %min3A_85, %sub3A_92 : i32
    %jit3A_94 = arith.constant 0 : i32
    %jit3A_95 = arith.constant 40 : i32
    %max3A_96 = arith.maxsi %jit3A_94, %sub3A_93 : i32
    %min3A_97 = arith.minsi %jit3A_95, %max3A_96 : i32
    %gt3A_98 = arith.constant 0 : i32
    %gt3A_99 = arith.cmpi sgt, %min3A_97, %gt3A_98 : i32
    %convert_element_type3A_100 = arith.extui %gt3A_99 : i1 to i32
    %cond3A_101 = arith.constant 0 : i32
    %cond3A_102 = arith.cmpi ne, %convert_element_type3A_100, %cond3A_101 : i32
    scf.if %cond3A_102 {
      %add3A_103 = arith.constant 40 : i32
      %add3A_104 = arith.addi %mul3A_83, %add3A_103 : i32
      %run_scoped3A = arith.constant 0 : i32
      "tpu.region"() ({
        %run_scoped3A_143 = tpu.sem_alloc : memref<!tpu.dma_semaphore, #tpu.memory_space<semaphore_mem>>
        %dma_start3A_144 = arith.constant 0 : i32
        %dma_start3A_145 = tpu.memref_slice %arg2[%run_scoped3A, %add3A_104, %dma_start3A_144] : memref<2x2560x128xi32, #tpu.memory_space<hbm>> -> memref<1x40x128xi32, #tpu.memory_space<hbm>>
        %dma_start3A_146 = tpu.memref_squeeze %dma_start3A_145 : memref<1x40x128xi32, #tpu.memory_space<hbm>> -> memref<40x128xi32, #tpu.memory_space<hbm>>
        %dma_start3A_147 = arith.constant 0 : i32
        %dma_start3A_148 = tpu.memref_slice %arg2[%run_scoped3A, %add3A_104, %dma_start3A_147] : memref<2x2560x128xi32, #tpu.memory_space<hbm>> -> memref<1x40x128xi32, #tpu.memory_space<hbm>>
        %dma_start3A_149 = tpu.memref_squeeze %dma_start3A_148 : memref<1x40x128xi32, #tpu.memory_space<hbm>> -> memref<40x128xi32, #tpu.memory_space<hbm>>
        tpu.enqueue_dma source(%dma_start3A_149 : memref<40x128xi32, #tpu.memory_space<hbm>>) target(%arg5 : memref<40x128xi32, #tpu.memory_space<vmem>>) target_semaphore(%run_scoped3A_143 : memref<!tpu.dma_semaphore, #tpu.memory_space<semaphore_mem>>)
        %dma_wait3A_150 = arith.constant 0 : i32
        %dma_wait3A_151 = tpu.memref_slice %arg2[%run_scoped3A, %add3A_104, %dma_wait3A_150] : memref<2x2560x128xi32, #tpu.memory_space<hbm>> -> memref<1x40x128xi32, #tpu.memory_space<hbm>>
        %dma_wait3A_152 = tpu.memref_squeeze %dma_wait3A_151 : memref<1x40x128xi32, #tpu.memory_space<hbm>> -> memref<40x128xi32, #tpu.memory_space<hbm>>
        %dma_wait3A_153 = arith.constant 0 : i32
        %dma_wait3A_154 = tpu.memref_slice %arg2[%run_scoped3A, %add3A_104, %dma_wait3A_153] : memref<2x2560x128xi32, #tpu.memory_space<hbm>> -> memref<1x40x128xi32, #tpu.memory_space<hbm>>
        %dma_wait3A_155 = tpu.memref_squeeze %dma_wait3A_154 : memref<1x40x128xi32, #tpu.memory_space<hbm>> -> memref<40x128xi32, #tpu.memory_space<hbm>>
        tpu.wait_dma2 semaphore(%run_scoped3A_143 : memref<!tpu.dma_semaphore, #tpu.memory_space<semaphore_mem>>) src(%dma_wait3A_155 : memref<40x128xi32, #tpu.memory_space<hbm>>) dst(%arg5 : memref<40x128xi32, #tpu.memory_space<vmem>>)
        tpu.yield
      }) : () -> ()
      %add3A_105 = arith.constant 40 : i32
      %add3A_106 = arith.addi %mul3A_83, %add3A_105 : i32
      %run_scoped3A_107 = arith.constant 1 : i32
      "tpu.region"() ({
        %run_scoped3A_143 = tpu.sem_alloc : memref<!tpu.dma_semaphore, #tpu.memory_space<semaphore_mem>>
        %dma_start3A_144 = arith.constant 0 : i32
        %dma_start3A_145 = tpu.memref_slice %arg2[%run_scoped3A_107, %add3A_106, %dma_start3A_144] : memref<2x2560x128xi32, #tpu.memory_space<hbm>> -> memref<1x40x128xi32, #tpu.memory_space<hbm>>
        %dma_start3A_146 = tpu.memref_squeeze %dma_start3A_145 : memref<1x40x128xi32, #tpu.memory_space<hbm>> -> memref<40x128xi32, #tpu.memory_space<hbm>>
        %dma_start3A_147 = arith.constant 0 : i32
        %dma_start3A_148 = tpu.memref_slice %arg2[%run_scoped3A_107, %add3A_106, %dma_start3A_147] : memref<2x2560x128xi32, #tpu.memory_space<hbm>> -> memref<1x40x128xi32, #tpu.memory_space<hbm>>
        %dma_start3A_149 = tpu.memref_squeeze %dma_start3A_148 : memref<1x40x128xi32, #tpu.memory_space<hbm>> -> memref<40x128xi32, #tpu.memory_space<hbm>>
        tpu.enqueue_dma source(%dma_start3A_149 : memref<40x128xi32, #tpu.memory_space<hbm>>) target(%arg6 : memref<40x128xi32, #tpu.memory_space<vmem>>) target_semaphore(%run_scoped3A_143 : memref<!tpu.dma_semaphore, #tpu.memory_space<semaphore_mem>>)
        %dma_wait3A_150 = arith.constant 0 : i32
        %dma_wait3A_151 = tpu.memref_slice %arg2[%run_scoped3A_107, %add3A_106, %dma_wait3A_150] : memref<2x2560x128xi32, #tpu.memory_space<hbm>> -> memref<1x40x128xi32, #tpu.memory_space<hbm>>
        %dma_wait3A_152 = tpu.memref_squeeze %dma_wait3A_151 : memref<1x40x128xi32, #tpu.memory_space<hbm>> -> memref<40x128xi32, #tpu.memory_space<hbm>>
        %dma_wait3A_153 = arith.constant 0 : i32
        %dma_wait3A_154 = tpu.memref_slice %arg2[%run_scoped3A_107, %add3A_106, %dma_wait3A_153] : memref<2x2560x128xi32, #tpu.memory_space<hbm>> -> memref<1x40x128xi32, #tpu.memory_space<hbm>>
        %dma_wait3A_155 = tpu.memref_squeeze %dma_wait3A_154 : memref<1x40x128xi32, #tpu.memory_space<hbm>> -> memref<40x128xi32, #tpu.memory_space<hbm>>
        tpu.wait_dma2 semaphore(%run_scoped3A_143 : memref<!tpu.dma_semaphore, #tpu.memory_space<semaphore_mem>>) src(%dma_wait3A_155 : memref<40x128xi32, #tpu.memory_space<hbm>>) dst(%arg6 : memref<40x128xi32, #tpu.memory_space<vmem>>)
        tpu.yield
      }) : () -> ()
      %dma_start3A_108 = arith.constant 0 : i32
      %dma_start3A_109 = arith.constant 0 : i32
      %dma_start3A_110 = arith.constant 0 : i32
      %dma_start3A_111 = arith.constant 0 : i32
      %dma_start3A_112 = tpu.memref_slice %arg7[%dma_start3A_109, %dma_start3A_110, %dma_start3A_111] : memref<2x128x128xf32, #tpu.memory_space<vmem>> -> memref<1x128x128xf32, #tpu.memory_space<vmem>>
      %dma_start3A_113 = tpu.memref_squeeze %dma_start3A_112 : memref<1x128x128xf32, #tpu.memory_space<vmem>> -> memref<128x128xf32, #tpu.memory_space<vmem>>
      %dma_start3A_114 = arith.constant 0 : i32
      %dma_start3A_115 = tpu.memref_slice %arg5[%dma_start3A_108, %dma_start3A_114] : memref<40x128xi32, #tpu.memory_space<vmem>> -> memref<1x128xi32, #tpu.memory_space<vmem>>
      %dma_start3A_116 = tpu.memref_squeeze %dma_start3A_115 : memref<1x128xi32, #tpu.memory_space<vmem>> -> memref<128xi32, #tpu.memory_space<vmem>>
      %dma_start3A_117 = arith.constant 0 : i32
      %dma_start3A_118 = arith.constant 0 : i32
      %dma_start3A_119 = tpu.memref_slice %arg3[%dma_start3A_117, %dma_start3A_118] : memref<10000x128xf32, #tpu.memory_space<hbm>> -> memref<10000x128xf32, #tpu.memory_space<hbm>>
      tpu.enqueue_indirect_dma source(%dma_start3A_119 : memref<10000x128xf32, #tpu.memory_space<hbm>>) target(%dma_start3A_113 : memref<128x128xf32, #tpu.memory_space<vmem>>) offsets(%dma_start3A_116 : memref<128xi32, #tpu.memory_space<vmem>>) semaphore(%arg9 : memref<!tpu.dma_semaphore, #tpu.memory_space<semaphore_mem>>)
      %while3A = arith.constant 0 : i32
      %while3A_120 = arith.constant 0 : i32
      %while3A_121 = arith.subi %min3A_97, %while3A_120 : i32
      %while3A_122 = arith.addi %while3A_120, %while3A_121 : i32
      %while3A_123 = arith.constant 1 : i32
      %while3A_124 = arith.divsi %while3A_121, %while3A_123 : i32
      %while3A_125 = arith.muli %while3A_124, %while3A_123 : i32
      %while3A_126 = arith.addi %while3A_120, %while3A_125 : i32
      %while3A_127 = arith.constant 1 : i32
      scf.for %while3A_143 = %while3A_120 to %while3A_126 step %while3A_127  : i32 {
        %jit3A_144 = arith.constant 2 : i32
        %eq3A = arith.constant 0 : i32
        %eq3A_145 = arith.cmpi eq, %jit3A_144, %eq3A : i32
        %jit3A_146 = arith.constant 1 : i32
        %select_n3A = arith.select %eq3A_145, %jit3A_146, %jit3A_144 : i32
        %rem3A = arith.remsi %while3A_143, %select_n3A : i32
        %ne3A = arith.constant 0 : i32
        %ne3A_147 = arith.cmpi ne, %rem3A, %ne3A : i32
        %lt3A = arith.constant 0 : i32
        %lt3A_148 = arith.cmpi slt, %rem3A, %lt3A : i32
        %lt3A_149 = arith.constant 0 : i32
        %lt3A_150 = arith.cmpi slt, %select_n3A, %lt3A_149 : i32
        %ne3A_151 = arith.xori %lt3A_148, %lt3A_150 : i1
        %and3A = arith.andi %ne3A_151, %ne3A_147 : i1
        %add3A_152 = arith.addi %rem3A, %select_n3A : i32
        %select_n3A_153 = arith.select %and3A, %add3A_152, %rem3A : i32
        %sub3A_154 = arith.constant 1 : i32
        %sub3A_155 = arith.subi %sub3A_154, %select_n3A_153 : i32
        %dma_wait3A_156 = arith.constant 0 : i32
        %dma_wait3A_157 = arith.constant 0 : i32
        %dma_wait3A_158 = tpu.memref_slice %arg7[%select_n3A_153, %dma_wait3A_156, %dma_wait3A_157] : memref<2x128x128xf32, #tpu.memory_space<vmem>> -> memref<1x128x128xf32, #tpu.memory_space<vmem>>
        %dma_wait3A_159 = tpu.memref_squeeze %dma_wait3A_158 : memref<1x128x128xf32, #tpu.memory_space<vmem>> -> memref<128x128xf32, #tpu.memory_space<vmem>>
        %dma_wait3A_160 = arith.constant 0 : i32
        %dma_wait3A_161 = arith.constant 0 : i32
        %dma_wait3A_162 = tpu.memref_slice %arg3[%dma_wait3A_160, %dma_wait3A_161] : memref<10000x128xf32, #tpu.memory_space<hbm>> -> memref<128x128xf32, #tpu.memory_space<hbm>>
        %dma_wait3A_163 = arith.constant 0 : i32
        %dma_wait3A_164 = arith.constant 0 : i32
        %dma_wait3A_165 = tpu.memref_slice %arg7[%select_n3A_153, %dma_wait3A_163, %dma_wait3A_164] : memref<2x128x128xf32, #tpu.memory_space<vmem>> -> memref<1x128x128xf32, #tpu.memory_space<vmem>>
        %dma_wait3A_166 = tpu.memref_squeeze %dma_wait3A_165 : memref<1x128x128xf32, #tpu.memory_space<vmem>> -> memref<128x128xf32, #tpu.memory_space<vmem>>
        %dma_wait3A_167 = arith.constant 0 : i32
        %dma_wait3A_168 = arith.constant 0 : i32
        %dma_wait3A_169 = tpu.memref_slice %arg3[%dma_wait3A_167, %dma_wait3A_168] : memref<10000x128xf32, #tpu.memory_space<hbm>> -> memref<128x128xf32, #tpu.memory_space<hbm>>
        tpu.wait_dma2 semaphore(%arg9 : memref<!tpu.dma_semaphore, #tpu.memory_space<semaphore_mem>>) src(%dma_wait3A_169 : memref<128x128xf32, #tpu.memory_space<hbm>>) dst(%dma_wait3A_166 : memref<128x128xf32, #tpu.memory_space<vmem>>)
        %ge3A = arith.constant 1 : i32
        %ge3A_170 = arith.cmpi sge, %while3A_143, %ge3A : i32
        %convert_element_type3A_171 = arith.extui %ge3A_170 : i1 to i32
        %cond3A_172 = arith.constant 0 : i32
        %cond3A_173 = arith.cmpi ne, %convert_element_type3A_171, %cond3A_172 : i32
        scf.if %cond3A_173 {
          %dma_wait3A_190 = arith.constant 0 : i32
          %dma_wait3A_191 = arith.constant 0 : i32
          %dma_wait3A_192 = tpu.memref_slice %arg7[%sub3A_155, %dma_wait3A_190, %dma_wait3A_191] : memref<2x128x128xf32, #tpu.memory_space<vmem>> -> memref<1x128x128xf32, #tpu.memory_space<vmem>>
          %dma_wait3A_193 = tpu.memref_squeeze %dma_wait3A_192 : memref<1x128x128xf32, #tpu.memory_space<vmem>> -> memref<128x128xf32, #tpu.memory_space<vmem>>
          %dma_wait3A_194 = arith.constant 0 : i32
          %dma_wait3A_195 = arith.constant 0 : i32
          %dma_wait3A_196 = tpu.memref_slice %arg3[%dma_wait3A_194, %dma_wait3A_195] : memref<10000x128xf32, #tpu.memory_space<hbm>> -> memref<128x128xf32, #tpu.memory_space<hbm>>
          %dma_wait3A_197 = arith.constant 0 : i32
          %dma_wait3A_198 = arith.constant 0 : i32
          %dma_wait3A_199 = tpu.memref_slice %arg7[%sub3A_155, %dma_wait3A_197, %dma_wait3A_198] : memref<2x128x128xf32, #tpu.memory_space<vmem>> -> memref<1x128x128xf32, #tpu.memory_space<vmem>>
          %dma_wait3A_200 = tpu.memref_squeeze %dma_wait3A_199 : memref<1x128x128xf32, #tpu.memory_space<vmem>> -> memref<128x128xf32, #tpu.memory_space<vmem>>
          %dma_wait3A_201 = arith.constant 0 : i32
          %dma_wait3A_202 = arith.constant 0 : i32
          %dma_wait3A_203 = tpu.memref_slice %arg3[%dma_wait3A_201, %dma_wait3A_202] : memref<10000x128xf32, #tpu.memory_space<hbm>> -> memref<128x128xf32, #tpu.memory_space<hbm>>
          tpu.wait_dma2 semaphore(%arg10 : memref<!tpu.dma_semaphore, #tpu.memory_space<semaphore_mem>>) src(%dma_wait3A_203 : memref<128x128xf32, #tpu.memory_space<hbm>>) dst(%dma_wait3A_200 : memref<128x128xf32, #tpu.memory_space<vmem>>)
        } else {
        }
        %add3A_174 = arith.constant 1 : i32
        %add3A_175 = arith.addi %while3A_143, %add3A_174 : i32
        %lt3A_176 = arith.cmpi slt, %add3A_175, %min3A_97 : i32
        %convert_element_type3A_177 = arith.extui %lt3A_176 : i1 to i32
        %cond3A_178 = arith.constant 0 : i32
        %cond3A_179 = arith.cmpi ne, %convert_element_type3A_177, %cond3A_178 : i32
        scf.if %cond3A_179 {
          %add3A_190 = arith.constant 1 : i32
          %add3A_191 = arith.addi %while3A_143, %add3A_190 : i32
          %dma_start3A_192 = arith.constant 0 : i32
          %dma_start3A_193 = arith.constant 0 : i32
          %dma_start3A_194 = tpu.memref_slice %arg7[%sub3A_155, %dma_start3A_192, %dma_start3A_193] : memref<2x128x128xf32, #tpu.memory_space<vmem>> -> memref<1x128x128xf32, #tpu.memory_space<vmem>>
          %dma_start3A_195 = tpu.memref_squeeze %dma_start3A_194 : memref<1x128x128xf32, #tpu.memory_space<vmem>> -> memref<128x128xf32, #tpu.memory_space<vmem>>
          %dma_start3A_196 = arith.constant 0 : i32
          %dma_start3A_197 = tpu.memref_slice %arg5[%add3A_191, %dma_start3A_196] : memref<40x128xi32, #tpu.memory_space<vmem>> -> memref<1x128xi32, #tpu.memory_space<vmem>>
          %dma_start3A_198 = tpu.memref_squeeze %dma_start3A_197 : memref<1x128xi32, #tpu.memory_space<vmem>> -> memref<128xi32, #tpu.memory_space<vmem>>
          %dma_start3A_199 = arith.constant 0 : i32
          %dma_start3A_200 = arith.constant 0 : i32
          %dma_start3A_201 = tpu.memref_slice %arg3[%dma_start3A_199, %dma_start3A_200] : memref<10000x128xf32, #tpu.memory_space<hbm>> -> memref<10000x128xf32, #tpu.memory_space<hbm>>
          tpu.enqueue_indirect_dma source(%dma_start3A_201 : memref<10000x128xf32, #tpu.memory_space<hbm>>) target(%dma_start3A_195 : memref<128x128xf32, #tpu.memory_space<vmem>>) offsets(%dma_start3A_198 : memref<128xi32, #tpu.memory_space<vmem>>) semaphore(%arg9 : memref<!tpu.dma_semaphore, #tpu.memory_space<semaphore_mem>>)
        } else {
        }
        %dma_start3A_180 = arith.constant 0 : i32
        %dma_start3A_181 = arith.constant 0 : i32
        %dma_start3A_182 = tpu.memref_slice %arg7[%select_n3A_153, %dma_start3A_180, %dma_start3A_181] : memref<2x128x128xf32, #tpu.memory_space<vmem>> -> memref<1x128x128xf32, #tpu.memory_space<vmem>>
        %dma_start3A_183 = tpu.memref_squeeze %dma_start3A_182 : memref<1x128x128xf32, #tpu.memory_space<vmem>> -> memref<128x128xf32, #tpu.memory_space<vmem>>
        %dma_start3A_184 = arith.constant 0 : i32
        %dma_start3A_185 = tpu.memref_slice %arg6[%while3A_143, %dma_start3A_184] : memref<40x128xi32, #tpu.memory_space<vmem>> -> memref<1x128xi32, #tpu.memory_space<vmem>>
        %dma_start3A_186 = tpu.memref_squeeze %dma_start3A_185 : memref<1x128xi32, #tpu.memory_space<vmem>> -> memref<128xi32, #tpu.memory_space<vmem>>
        %dma_start3A_187 = arith.constant 0 : i32
        %dma_start3A_188 = arith.constant 0 : i32
        %dma_start3A_189 = tpu.memref_slice %arg8[%dma_start3A_187, %dma_start3A_188] : memref<10112x128xf32, #tpu.memory_space<vmem_shared>> -> memref<10112x128xf32, #tpu.memory_space<vmem_shared>>
        tpu.enqueue_indirect_dma source(%dma_start3A_183 : memref<128x128xf32, #tpu.memory_space<vmem>>) target(%dma_start3A_189 : memref<10112x128xf32, #tpu.memory_space<vmem_shared>>) offsets(%dma_start3A_186 : memref<128xi32, #tpu.memory_space<vmem>>) semaphore(%arg10 : memref<!tpu.dma_semaphore, #tpu.memory_space<semaphore_mem>>) {add = true}
      }
      %while3A_128 = arith.constant 1 : i32
      scf.for %while3A_143 = %while3A_126 to %while3A_122 step %while3A_128  : i32 {
        %jit3A_144 = arith.constant 2 : i32
        %eq3A = arith.constant 0 : i32
        %eq3A_145 = arith.cmpi eq, %jit3A_144, %eq3A : i32
        %jit3A_146 = arith.constant 1 : i32
        %select_n3A = arith.select %eq3A_145, %jit3A_146, %jit3A_144 : i32
        %rem3A = arith.remsi %while3A_143, %select_n3A : i32
        %ne3A = arith.constant 0 : i32
        %ne3A_147 = arith.cmpi ne, %rem3A, %ne3A : i32
        %lt3A = arith.constant 0 : i32
        %lt3A_148 = arith.cmpi slt, %rem3A, %lt3A : i32
        %lt3A_149 = arith.constant 0 : i32
        %lt3A_150 = arith.cmpi slt, %select_n3A, %lt3A_149 : i32
        %ne3A_151 = arith.xori %lt3A_148, %lt3A_150 : i1
        %and3A = arith.andi %ne3A_151, %ne3A_147 : i1
        %add3A_152 = arith.addi %rem3A, %select_n3A : i32
        %select_n3A_153 = arith.select %and3A, %add3A_152, %rem3A : i32
        %sub3A_154 = arith.constant 1 : i32
        %sub3A_155 = arith.subi %sub3A_154, %select_n3A_153 : i32
        %dma_wait3A_156 = arith.constant 0 : i32
        %dma_wait3A_157 = arith.constant 0 : i32
        %dma_wait3A_158 = tpu.memref_slice %arg7[%select_n3A_153, %dma_wait3A_156, %dma_wait3A_157] : memref<2x128x128xf32, #tpu.memory_space<vmem>> -> memref<1x128x128xf32, #tpu.memory_space<vmem>>
        %dma_wait3A_159 = tpu.memref_squeeze %dma_wait3A_158 : memref<1x128x128xf32, #tpu.memory_space<vmem>> -> memref<128x128xf32, #tpu.memory_space<vmem>>
        %dma_wait3A_160 = arith.constant 0 : i32
        %dma_wait3A_161 = arith.constant 0 : i32
        %dma_wait3A_162 = tpu.memref_slice %arg3[%dma_wait3A_160, %dma_wait3A_161] : memref<10000x128xf32, #tpu.memory_space<hbm>> -> memref<128x128xf32, #tpu.memory_space<hbm>>
        %dma_wait3A_163 = arith.constant 0 : i32
        %dma_wait3A_164 = arith.constant 0 : i32
        %dma_wait3A_165 = tpu.memref_slice %arg7[%select_n3A_153, %dma_wait3A_163, %dma_wait3A_164] : memref<2x128x128xf32, #tpu.memory_space<vmem>> -> memref<1x128x128xf32, #tpu.memory_space<vmem>>
        %dma_wait3A_166 = tpu.memref_squeeze %dma_wait3A_165 : memref<1x128x128xf32, #tpu.memory_space<vmem>> -> memref<128x128xf32, #tpu.memory_space<vmem>>
        %dma_wait3A_167 = arith.constant 0 : i32
        %dma_wait3A_168 = arith.constant 0 : i32
        %dma_wait3A_169 = tpu.memref_slice %arg3[%dma_wait3A_167, %dma_wait3A_168] : memref<10000x128xf32, #tpu.memory_space<hbm>> -> memref<128x128xf32, #tpu.memory_space<hbm>>
        tpu.wait_dma2 semaphore(%arg9 : memref<!tpu.dma_semaphore, #tpu.memory_space<semaphore_mem>>) src(%dma_wait3A_169 : memref<128x128xf32, #tpu.memory_space<hbm>>) dst(%dma_wait3A_166 : memref<128x128xf32, #tpu.memory_space<vmem>>)
        %ge3A = arith.constant 1 : i32
        %ge3A_170 = arith.cmpi sge, %while3A_143, %ge3A : i32
        %convert_element_type3A_171 = arith.extui %ge3A_170 : i1 to i32
        %cond3A_172 = arith.constant 0 : i32
        %cond3A_173 = arith.cmpi ne, %convert_element_type3A_171, %cond3A_172 : i32
        scf.if %cond3A_173 {
          %dma_wait3A_190 = arith.constant 0 : i32
          %dma_wait3A_191 = arith.constant 0 : i32
          %dma_wait3A_192 = tpu.memref_slice %arg7[%sub3A_155, %dma_wait3A_190, %dma_wait3A_191] : memref<2x128x128xf32, #tpu.memory_space<vmem>> -> memref<1x128x128xf32, #tpu.memory_space<vmem>>
          %dma_wait3A_193 = tpu.memref_squeeze %dma_wait3A_192 : memref<1x128x128xf32, #tpu.memory_space<vmem>> -> memref<128x128xf32, #tpu.memory_space<vmem>>
          %dma_wait3A_194 = arith.constant 0 : i32
          %dma_wait3A_195 = arith.constant 0 : i32
          %dma_wait3A_196 = tpu.memref_slice %arg3[%dma_wait3A_194, %dma_wait3A_195] : memref<10000x128xf32, #tpu.memory_space<hbm>> -> memref<128x128xf32, #tpu.memory_space<hbm>>
          %dma_wait3A_197 = arith.constant 0 : i32
          %dma_wait3A_198 = arith.constant 0 : i32
          %dma_wait3A_199 = tpu.memref_slice %arg7[%sub3A_155, %dma_wait3A_197, %dma_wait3A_198] : memref<2x128x128xf32, #tpu.memory_space<vmem>> -> memref<1x128x128xf32, #tpu.memory_space<vmem>>
          %dma_wait3A_200 = tpu.memref_squeeze %dma_wait3A_199 : memref<1x128x128xf32, #tpu.memory_space<vmem>> -> memref<128x128xf32, #tpu.memory_space<vmem>>
          %dma_wait3A_201 = arith.constant 0 : i32
          %dma_wait3A_202 = arith.constant 0 : i32
          %dma_wait3A_203 = tpu.memref_slice %arg3[%dma_wait3A_201, %dma_wait3A_202] : memref<10000x128xf32, #tpu.memory_space<hbm>> -> memref<128x128xf32, #tpu.memory_space<hbm>>
          tpu.wait_dma2 semaphore(%arg10 : memref<!tpu.dma_semaphore, #tpu.memory_space<semaphore_mem>>) src(%dma_wait3A_203 : memref<128x128xf32, #tpu.memory_space<hbm>>) dst(%dma_wait3A_200 : memref<128x128xf32, #tpu.memory_space<vmem>>)
        } else {
        }
        %add3A_174 = arith.constant 1 : i32
        %add3A_175 = arith.addi %while3A_143, %add3A_174 : i32
        %lt3A_176 = arith.cmpi slt, %add3A_175, %min3A_97 : i32
        %convert_element_type3A_177 = arith.extui %lt3A_176 : i1 to i32
        %cond3A_178 = arith.constant 0 : i32
        %cond3A_179 = arith.cmpi ne, %convert_element_type3A_177, %cond3A_178 : i32
        scf.if %cond3A_179 {
          %add3A_190 = arith.constant 1 : i32
          %add3A_191 = arith.addi %while3A_143, %add3A_190 : i32
          %dma_start3A_192 = arith.constant 0 : i32
          %dma_start3A_193 = arith.constant 0 : i32
          %dma_start3A_194 = tpu.memref_slice %arg7[%sub3A_155, %dma_start3A_192, %dma_start3A_193] : memref<2x128x128xf32, #tpu.memory_space<vmem>> -> memref<1x128x128xf32, #tpu.memory_space<vmem>>
          %dma_start3A_195 = tpu.memref_squeeze %dma_start3A_194 : memref<1x128x128xf32, #tpu.memory_space<vmem>> -> memref<128x128xf32, #tpu.memory_space<vmem>>
          %dma_start3A_196 = arith.constant 0 : i32
          %dma_start3A_197 = tpu.memref_slice %arg5[%add3A_191, %dma_start3A_196] : memref<40x128xi32, #tpu.memory_space<vmem>> -> memref<1x128xi32, #tpu.memory_space<vmem>>
          %dma_start3A_198 = tpu.memref_squeeze %dma_start3A_197 : memref<1x128xi32, #tpu.memory_space<vmem>> -> memref<128xi32, #tpu.memory_space<vmem>>
          %dma_start3A_199 = arith.constant 0 : i32
          %dma_start3A_200 = arith.constant 0 : i32
          %dma_start3A_201 = tpu.memref_slice %arg3[%dma_start3A_199, %dma_start3A_200] : memref<10000x128xf32, #tpu.memory_space<hbm>> -> memref<10000x128xf32, #tpu.memory_space<hbm>>
          tpu.enqueue_indirect_dma source(%dma_start3A_201 : memref<10000x128xf32, #tpu.memory_space<hbm>>) target(%dma_start3A_195 : memref<128x128xf32, #tpu.memory_space<vmem>>) offsets(%dma_start3A_198 : memref<128xi32, #tpu.memory_space<vmem>>) semaphore(%arg9 : memref<!tpu.dma_semaphore, #tpu.memory_space<semaphore_mem>>)
        } else {
        }
        %dma_start3A_180 = arith.constant 0 : i32
        %dma_start3A_181 = arith.constant 0 : i32
        %dma_start3A_182 = tpu.memref_slice %arg7[%select_n3A_153, %dma_start3A_180, %dma_start3A_181] : memref<2x128x128xf32, #tpu.memory_space<vmem>> -> memref<1x128x128xf32, #tpu.memory_space<vmem>>
        %dma_start3A_183 = tpu.memref_squeeze %dma_start3A_182 : memref<1x128x128xf32, #tpu.memory_space<vmem>> -> memref<128x128xf32, #tpu.memory_space<vmem>>
        %dma_start3A_184 = arith.constant 0 : i32
        %dma_start3A_185 = tpu.memref_slice %arg6[%while3A_143, %dma_start3A_184] : memref<40x128xi32, #tpu.memory_space<vmem>> -> memref<1x128xi32, #tpu.memory_space<vmem>>
        %dma_start3A_186 = tpu.memref_squeeze %dma_start3A_185 : memref<1x128xi32, #tpu.memory_space<vmem>> -> memref<128xi32, #tpu.memory_space<vmem>>
        %dma_start3A_187 = arith.constant 0 : i32
        %dma_start3A_188 = arith.constant 0 : i32
        %dma_start3A_189 = tpu.memref_slice %arg8[%dma_start3A_187, %dma_start3A_188] : memref<10112x128xf32, #tpu.memory_space<vmem_shared>> -> memref<10112x128xf32, #tpu.memory_space<vmem_shared>>
        tpu.enqueue_indirect_dma source(%dma_start3A_183 : memref<128x128xf32, #tpu.memory_space<vmem>>) target(%dma_start3A_189 : memref<10112x128xf32, #tpu.memory_space<vmem_shared>>) offsets(%dma_start3A_186 : memref<128xi32, #tpu.memory_space<vmem>>) semaphore(%arg10 : memref<!tpu.dma_semaphore, #tpu.memory_space<semaphore_mem>>) {add = true}
      }
      %dma_wait3A = arith.constant 0 : i32
      %dma_wait3A_129 = arith.constant 0 : i32
      %dma_wait3A_130 = arith.constant 0 : i32
      %dma_wait3A_131 = tpu.memref_slice %arg7[%dma_wait3A, %dma_wait3A_129, %dma_wait3A_130] : memref<2x128x128xf32, #tpu.memory_space<vmem>> -> memref<1x128x128xf32, #tpu.memory_space<vmem>>
      %dma_wait3A_132 = tpu.memref_squeeze %dma_wait3A_131 : memref<1x128x128xf32, #tpu.memory_space<vmem>> -> memref<128x128xf32, #tpu.memory_space<vmem>>
      %dma_wait3A_133 = arith.constant 0 : i32
      %dma_wait3A_134 = arith.constant 0 : i32
      %dma_wait3A_135 = tpu.memref_slice %arg3[%dma_wait3A_133, %dma_wait3A_134] : memref<10000x128xf32, #tpu.memory_space<hbm>> -> memref<128x128xf32, #tpu.memory_space<hbm>>
      %dma_wait3A_136 = arith.constant 0 : i32
      %dma_wait3A_137 = arith.constant 0 : i32
      %dma_wait3A_138 = tpu.memref_slice %arg7[%dma_wait3A, %dma_wait3A_136, %dma_wait3A_137] : memref<2x128x128xf32, #tpu.memory_space<vmem>> -> memref<1x128x128xf32, #tpu.memory_space<vmem>>
      %dma_wait3A_139 = tpu.memref_squeeze %dma_wait3A_138 : memref<1x128x128xf32, #tpu.memory_space<vmem>> -> memref<128x128xf32, #tpu.memory_space<vmem>>
      %dma_wait3A_140 = arith.constant 0 : i32
      %dma_wait3A_141 = arith.constant 0 : i32
      %dma_wait3A_142 = tpu.memref_slice %arg3[%dma_wait3A_140, %dma_wait3A_141] : memref<10000x128xf32, #tpu.memory_space<hbm>> -> memref<128x128xf32, #tpu.memory_space<hbm>>
      tpu.wait_dma2 semaphore(%arg10 : memref<!tpu.dma_semaphore, #tpu.memory_space<semaphore_mem>>) src(%dma_wait3A_142 : memref<128x128xf32, #tpu.memory_space<hbm>>) dst(%dma_wait3A_139 : memref<128x128xf32, #tpu.memory_space<vmem>>)
    } else {
    }
    %barrier3A = arith.constant 0 : index
    tpu.barrier barrier_id(%barrier3A)
    "tpu.region"() ({
      %run_scoped3A = tpu.sem_alloc : memref<!tpu.dma_semaphore, #tpu.memory_space<semaphore_mem>>
      %dma_start3A_103 = arith.constant 0 : i32
      %dma_start3A_104 = tpu.memref_slice %arg4[%arg0, %mul3A_7, %dma_start3A_103] : memref<2x10112x128xf32, #tpu.memory_space<hbm>> -> memref<1x632x128xf32, #tpu.memory_space<hbm>>
      %dma_start3A_105 = tpu.memref_squeeze %dma_start3A_104 : memref<1x632x128xf32, #tpu.memory_space<hbm>> -> memref<632x128xf32, #tpu.memory_space<hbm>>
      %dma_start3A_106 = arith.constant 0 : i32
      %dma_start3A_107 = tpu.memref_slice %arg8[%mul3A_7, %dma_start3A_106] : memref<10112x128xf32, #tpu.memory_space<vmem_shared>> -> memref<632x128xf32, #tpu.memory_space<vmem_shared>>
      tpu.enqueue_dma source(%dma_start3A_107 : memref<632x128xf32, #tpu.memory_space<vmem_shared>>) target(%dma_start3A_105 : memref<632x128xf32, #tpu.memory_space<hbm>>) target_semaphore(%run_scoped3A : memref<!tpu.dma_semaphore, #tpu.memory_space<semaphore_mem>>)
      %dma_wait3A = arith.constant 0 : i32
      %dma_wait3A_108 = tpu.memref_slice %arg4[%arg0, %mul3A_7, %dma_wait3A] : memref<2x10112x128xf32, #tpu.memory_space<hbm>> -> memref<1x632x128xf32, #tpu.memory_space<hbm>>
      %dma_wait3A_109 = tpu.memref_squeeze %dma_wait3A_108 : memref<1x632x128xf32, #tpu.memory_space<hbm>> -> memref<632x128xf32, #tpu.memory_space<hbm>>
      %dma_wait3A_110 = arith.constant 0 : i32
      %dma_wait3A_111 = tpu.memref_slice %arg8[%mul3A_7, %dma_wait3A_110] : memref<10112x128xf32, #tpu.memory_space<vmem_shared>> -> memref<632x128xf32, #tpu.memory_space<vmem_shared>>
      tpu.wait_dma2 semaphore(%run_scoped3A : memref<!tpu.dma_semaphore, #tpu.memory_space<semaphore_mem>>) src(%dma_wait3A_111 : memref<632x128xf32, #tpu.memory_space<vmem_shared>>) dst(%dma_wait3A_109 : memref<632x128xf32, #tpu.memory_space<hbm>>)
      tpu.yield
    }) : () -> ()
    return
  }
}

module attributes {stable_mosaic.version = 14 : i64} {
  func.func @_tc_body(%arg0: i32, %arg1: memref<1000x128xf32, #tpu.memory_space<vmem>>, %arg2: memref<2x1000x128xf32, #tpu.memory_space<vmem>>, %arg3: memref<2x16x10112xf32, #tpu.memory_space<vmem>>, %arg4: memref<1000x1xi32, #tpu.memory_space<vmem>>, %arg5: memref<128x128xf32, #tpu.memory_space<vmem>>, %arg6: memref<128x128xf32, #tpu.memory_space<vmem>>, %arg7: memref<1x128xf32, #tpu.memory_space<vmem>>, %arg8: memref<128x1xf32, #tpu.memory_space<vmem>>, %arg9: memref<1x1xf32, #tpu.memory_space<vmem>>, %arg10: memref<64x1xf32, #tpu.memory_space<vmem>>, %arg11: memref<64x128xf32, #tpu.memory_space<vmem>>, %arg12: memref<10112x32xf32, #tpu.memory_space<vmem>>) attributes {dimension_semantics = [#tpu.dimension_semantics<arbitrary>], iteration_bounds = array<i64: 10>, scalar_prefetch = 0 : i64, scratch_operands = 2 : i64, tpu.core_type = #tpu.core_type<tc>, window_params = [{transform_indices = @transform_0, window_bounds = array<i64: 1000, 128>}, {transform_indices = @transform_1, window_bounds = array<i64: 2, 1000, 128>}, {pipeline_mode = #tpu.pipeline_mode<synchronous>, transform_indices = @transform_2, window_bounds = array<i64: 2, 16, 10112>}, {transform_indices = @transform_3, window_bounds = array<i64: 1000, 1>}, {pipeline_mode = #tpu.pipeline_mode<synchronous>, transform_indices = @transform_4, window_bounds = array<i64: 128, 128>}, {pipeline_mode = #tpu.pipeline_mode<synchronous>, transform_indices = @transform_5, window_bounds = array<i64: 128, 128>}, {pipeline_mode = #tpu.pipeline_mode<synchronous>, transform_indices = @transform_6, window_bounds = array<i64: 1, 128>}, {pipeline_mode = #tpu.pipeline_mode<synchronous>, transform_indices = @transform_7, window_bounds = array<i64: 128, 1>}, {pipeline_mode = #tpu.pipeline_mode<synchronous>, transform_indices = @transform_8, window_bounds = array<i64: 1, 1>}, {pipeline_mode = #tpu.pipeline_mode<synchronous>, transform_indices = @transform_9, window_bounds = array<i64: 64, 1>}]} {
    %eq3A = arith.constant 0 : i32
    %eq3A_0 = arith.cmpi eq, %arg0, %eq3A : i32
    %convert_element_type3A = arith.extui %eq3A_0 : i1 to i32
    %cond3A = arith.constant 0 : i32
    %cond3A_1 = arith.cmpi ne, %convert_element_type3A, %cond3A : i32
    scf.if %cond3A_1 {
      %broadcast_in_dim3A_63 = arith.constant 0xFF800000 : f32
      %broadcast_in_dim3A_64 = vector.broadcast %broadcast_in_dim3A_63 : f32 to vector<64x128xf32>
      %swap3A = arith.constant 0 : index
      %swap3A_65 = arith.constant 0 : index
      %swap3A_66 = vector.load %arg11[%swap3A, %swap3A_65] : memref<64x128xf32, #tpu.memory_space<vmem>>, vector<64x128xf32>
      tpu.vector_store %arg11[%swap3A, %swap3A_65], %broadcast_in_dim3A_64 {strides = array<i32>} : memref<64x128xf32, #tpu.memory_space<vmem>>, vector<64x128xf32>,
      %get3A_67 = arith.constant 0 : index
      %get3A_68 = arith.constant 0 : index
      %get3A_69 = arith.constant 0 : index
      %get3A_70 = vector.load %arg3[%get3A_67, %get3A_68, %get3A_69] : memref<2x16x10112xf32, #tpu.memory_space<vmem>>, vector<2x16x10112xf32>
      %reshape3A = vector.shape_cast %get3A_70 : vector<2x16x10112xf32> to vector<32x10112xf32>
      %transpose3A = tpu.transpose %reshape3A, [1, 0] : vector<32x10112xf32> -> vector<10112x32xf32>
      %swap3A_71 = arith.constant 0 : index
      %swap3A_72 = arith.constant 0 : index
      %swap3A_73 = vector.load %arg12[%swap3A_71, %swap3A_72] : memref<10112x32xf32, #tpu.memory_space<vmem>>, vector<10112x32xf32>
      tpu.vector_store %arg12[%swap3A_71, %swap3A_72], %transpose3A {strides = array<i32>} : memref<10112x32xf32, #tpu.memory_space<vmem>>, vector<10112x32xf32>,
    } else {
    }
    %mul3A = arith.constant 1000 : i32
    %mul3A_2 = arith.muli %arg0, %mul3A : i32
    %get3A = arith.index_cast %mul3A_2 : i32 to index
    %get3A_3 = arith.constant 0 : index
    %get3A_4 = vector.load %arg12[%get3A, %get3A_3] : memref<10112x32xf32, #tpu.memory_space<vmem>>, vector<1000x32xf32>
    %reduce_sum3A = arith.constant dense<0.000000e+00> : vector<1000xf32>
    %reduce_sum3A_5 = vector.multi_reduction <add>, %get3A_4, %reduce_sum3A [1] : vector<1000x32xf32> to vector<1000xf32>
    %broadcast_in_dim3A = vector.shape_cast %reduce_sum3A_5 : vector<1000xf32> to vector<1000x1xf32>
    %get3A_6 = arith.constant 0 : index
    %get3A_7 = arith.constant 0 : index
    %get3A_8 = arith.constant 0 : index
    %get3A_9 = vector.load %arg2[%get3A_6, %get3A_7, %get3A_8] : memref<2x1000x128xf32, #tpu.memory_space<vmem>>, vector<1x1000x128xf32>
    %get3A_10 = vector.shape_cast %get3A_9 : vector<1x1000x128xf32> to vector<1000x128xf32>
    %get3A_11 = arith.constant 1 : index
    %get3A_12 = arith.constant 0 : index
    %get3A_13 = arith.constant 0 : index
    %get3A_14 = vector.load %arg2[%get3A_11, %get3A_12, %get3A_13] : memref<2x1000x128xf32, #tpu.memory_space<vmem>>, vector<1x1000x128xf32>
    %get3A_15 = vector.shape_cast %get3A_14 : vector<1x1000x128xf32> to vector<1000x128xf32>
    %add3A = arith.addf %get3A_10, %get3A_15 : vector<1000x128xf32>
    %max3A = arith.constant 1.000000e+00 : f32
    %max3A_16 = vector.broadcast %max3A : f32 to vector<1000x1xf32>
    %max3A_17 = arith.maximumf %broadcast_in_dim3A, %max3A_16 : vector<1000x1xf32>
    %div3A = vector.broadcast %max3A_17 : vector<1000x1xf32> to vector<1000x128xf32>
    %div3A_18 = arith.divf %add3A, %div3A : vector<1000x128xf32>
    %get3A_19 = arith.constant 0 : index
    %get3A_20 = arith.constant 0 : index
    %get3A_21 = vector.load %arg5[%get3A_19, %get3A_20] : memref<128x128xf32, #tpu.memory_space<vmem>>, vector<128x128xf32>
    %dot_general3A = arith.constant dense<0.000000e+00> : vector<1000x128xf32>
    %dot_general3A_22 = tpu.matmul %div3A_18, %get3A_21, %dot_general3A {dimension_numbers = #tpu.dot_dimension_numbers<[1], [0], [0], [1], [0, 0, 1, 1], [], []>, transpose_lhs_hint = false} : vector<1000x128xf32>, vector<128x128xf32>, vector<1000x128xf32> -> vector<1000x128xf32>
    %get3A_23 = arith.constant 0 : index
    %get3A_24 = arith.constant 0 : index
    %get3A_25 = vector.load %arg1[%get3A_23, %get3A_24] : memref<1000x128xf32, #tpu.memory_space<vmem>>, vector<1000x128xf32>
    %get3A_26 = arith.constant 0 : index
    %get3A_27 = arith.constant 0 : index
    %get3A_28 = vector.load %arg6[%get3A_26, %get3A_27] : memref<128x128xf32, #tpu.memory_space<vmem>>, vector<128x128xf32>
    %dot_general3A_29 = arith.constant dense<0.000000e+00> : vector<1000x128xf32>
    %dot_general3A_30 = tpu.matmul %get3A_25, %get3A_28, %dot_general3A_29 {dimension_numbers = #tpu.dot_dimension_numbers<[1], [0], [0], [1], [0, 0, 1, 1], [], []>, transpose_lhs_hint = false} : vector<1000x128xf32>, vector<128x128xf32>, vector<1000x128xf32> -> vector<1000x128xf32>
    %add3A_31 = arith.addf %dot_general3A_22, %dot_general3A_30 : vector<1000x128xf32>
    %get3A_32 = arith.constant 0 : index
    %get3A_33 = arith.constant 0 : index
    %get3A_34 = vector.load %arg7[%get3A_32, %get3A_33] : memref<1x128xf32, #tpu.memory_space<vmem>>, vector<1x128xf32>
    %add3A_35 = vector.broadcast %get3A_34 : vector<1x128xf32> to vector<1000x128xf32>
    %add3A_36 = arith.addf %add3A_31, %add3A_35 : vector<1000x128xf32>
    %max3A_37 = arith.constant 0.000000e+00 : f32
    %max3A_38 = vector.broadcast %max3A_37 : f32 to vector<1000x128xf32>
    %max3A_39 = arith.maximumf %add3A_36, %max3A_38 : vector<1000x128xf32>
    %get3A_40 = arith.constant 0 : index
    %get3A_41 = arith.constant 0 : index
    %get3A_42 = vector.load %arg4[%get3A_40, %get3A_41] : memref<1000x1xi32, #tpu.memory_space<vmem>>, vector<1x1xi32>
    %get3A_43 = vector.extract %get3A_42[0, 0] : i32 from vector<1x1xi32>
    %get3A_44 = arith.constant 999 : index
    %get3A_45 = arith.constant 0 : index
    %get3A_46 = vector.load %arg4[%get3A_44, %get3A_45] : memref<1000x1xi32, #tpu.memory_space<vmem>>, vector<1x1xi32>
    %get3A_47 = vector.extract %get3A_46[0, 0] : i32 from vector<1x1xi32>
    %add3A_48 = arith.constant 1 : i32
    %add3A_49 = arith.addi %get3A_47, %add3A_48 : i32
    %while3A = arith.constant 0 : i32
    %while3A_50 = arith.subi %add3A_49, %get3A_43 : i32
    %while3A_51 = arith.addi %get3A_43, %while3A_50 : i32
    %while3A_52 = arith.constant 1 : i32
    %while3A_53 = arith.divsi %while3A_50, %while3A_52 : i32
    %while3A_54 = arith.muli %while3A_53, %while3A_52 : i32
    %while3A_55 = arith.addi %get3A_43, %while3A_54 : i32
    %while3A_56 = arith.constant 1 : i32
    scf.for %while3A_63 = %get3A_43 to %while3A_55 step %while3A_56  : i32 {
      %get3A_64 = arith.constant 0 : index
      %get3A_65 = arith.constant 0 : index
      %get3A_66 = vector.load %arg4[%get3A_64, %get3A_65] : memref<1000x1xi32, #tpu.memory_space<vmem>>, vector<1000x1xi32>
      %eq3A_67 = vector.broadcast %while3A_63 : i32 to vector<1000x1xi32>
      %eq3A_68 = arith.cmpi eq, %get3A_66, %eq3A_67 : vector<1000x1xi32>
      %jit3A = arith.constant 0.000000e+00 : f32
      %jit3A_69 = arith.constant 0xFF800000 : f32
      %broadcast_in_dim3A_70 = vector.broadcast %jit3A : f32 to vector<1000x1xf32>
      %broadcast_in_dim3A_71 = vector.broadcast %jit3A_69 : f32 to vector<1000x1xf32>
      %select_n3A = arith.select %eq3A_68, %broadcast_in_dim3A_70, %broadcast_in_dim3A_71 : vector<1000x1xi1>, vector<1000x1xf32>
      %add3A_72 = vector.broadcast %select_n3A : vector<1000x1xf32> to vector<1000x128xf32>
      %add3A_73 = arith.addf %max3A_39, %add3A_72 : vector<1000x128xf32>
      %reduce_max3A = arith.constant dense<0xFF800000> : vector<128xf32>
      %reduce_max3A_74 = vector.multi_reduction <maximumf>, %add3A_73, %reduce_max3A [0] : vector<1000x128xf32> to vector<128xf32>
      %broadcast_in_dim3A_75 = vector.shape_cast %reduce_max3A_74 : vector<128xf32> to vector<1x128xf32>
      %get3A_76 = arith.index_cast %while3A_63 : i32 to index
      %get3A_77 = arith.constant 0 : index
      %get3A_78 = vector.load %arg11[%get3A_76, %get3A_77] : memref<64x128xf32, #tpu.memory_space<vmem>>, vector<1x128xf32>
      %max3A_79 = arith.maximumf %get3A_78, %broadcast_in_dim3A_75 : vector<1x128xf32>
      %swap3A = arith.index_cast %while3A_63 : i32 to index
      %swap3A_80 = arith.constant 0 : index
      %swap3A_81 = vector.load %arg11[%swap3A, %swap3A_80] : memref<64x128xf32, #tpu.memory_space<vmem>>, vector<1x128xf32>
      tpu.vector_store %arg11[%swap3A, %swap3A_80], %max3A_79 {strides = array<i32>} : memref<64x128xf32, #tpu.memory_space<vmem>>, vector<1x128xf32>,
    }
    %while3A_57 = arith.constant 1 : i32
    scf.for %while3A_63 = %while3A_55 to %while3A_51 step %while3A_57  : i32 {
      %get3A_64 = arith.constant 0 : index
      %get3A_65 = arith.constant 0 : index
      %get3A_66 = vector.load %arg4[%get3A_64, %get3A_65] : memref<1000x1xi32, #tpu.memory_space<vmem>>, vector<1000x1xi32>
      %eq3A_67 = vector.broadcast %while3A_63 : i32 to vector<1000x1xi32>
      %eq3A_68 = arith.cmpi eq, %get3A_66, %eq3A_67 : vector<1000x1xi32>
      %jit3A = arith.constant 0.000000e+00 : f32
      %jit3A_69 = arith.constant 0xFF800000 : f32
      %broadcast_in_dim3A_70 = vector.broadcast %jit3A : f32 to vector<1000x1xf32>
      %broadcast_in_dim3A_71 = vector.broadcast %jit3A_69 : f32 to vector<1000x1xf32>
      %select_n3A = arith.select %eq3A_68, %broadcast_in_dim3A_70, %broadcast_in_dim3A_71 : vector<1000x1xi1>, vector<1000x1xf32>
      %add3A_72 = vector.broadcast %select_n3A : vector<1000x1xf32> to vector<1000x128xf32>
      %add3A_73 = arith.addf %max3A_39, %add3A_72 : vector<1000x128xf32>
      %reduce_max3A = arith.constant dense<0xFF800000> : vector<128xf32>
      %reduce_max3A_74 = vector.multi_reduction <maximumf>, %add3A_73, %reduce_max3A [0] : vector<1000x128xf32> to vector<128xf32>
      %broadcast_in_dim3A_75 = vector.shape_cast %reduce_max3A_74 : vector<128xf32> to vector<1x128xf32>
      %get3A_76 = arith.index_cast %while3A_63 : i32 to index
      %get3A_77 = arith.constant 0 : index
      %get3A_78 = vector.load %arg11[%get3A_76, %get3A_77] : memref<64x128xf32, #tpu.memory_space<vmem>>, vector<1x128xf32>
      %max3A_79 = arith.maximumf %get3A_78, %broadcast_in_dim3A_75 : vector<1x128xf32>
      %swap3A = arith.index_cast %while3A_63 : i32 to index
      %swap3A_80 = arith.constant 0 : index
      %swap3A_81 = vector.load %arg11[%swap3A, %swap3A_80] : memref<64x128xf32, #tpu.memory_space<vmem>>, vector<1x128xf32>
      tpu.vector_store %arg11[%swap3A, %swap3A_80], %max3A_79 {strides = array<i32>} : memref<64x128xf32, #tpu.memory_space<vmem>>, vector<1x128xf32>,
    }
    %eq3A_58 = arith.constant 9 : i32
    %eq3A_59 = arith.cmpi eq, %arg0, %eq3A_58 : i32
    %convert_element_type3A_60 = arith.extui %eq3A_59 : i1 to i32
    %cond3A_61 = arith.constant 0 : i32
    %cond3A_62 = arith.cmpi ne, %convert_element_type3A_60, %cond3A_61 : i32
    scf.if %cond3A_62 {
      %get3A_63 = arith.constant 0 : index
      %get3A_64 = arith.constant 0 : index
      %get3A_65 = vector.load %arg11[%get3A_63, %get3A_64] : memref<64x128xf32, #tpu.memory_space<vmem>>, vector<64x128xf32>
      %is_finite3A = tpu.weird %get3A_65 : vector<64x128xf32> -> vector<64x128xi1>
      %is_finite3A_66 = arith.constant dense<true> : vector<64x128xi1>
      %is_finite3A_67 = arith.xori %is_finite3A, %is_finite3A_66 : vector<64x128xi1>
      %jit3A = arith.constant 0.000000e+00 : f32
      %broadcast_in_dim3A_68 = vector.broadcast %jit3A : f32 to vector<64x128xf32>
      %select_n3A = arith.select %is_finite3A_67, %get3A_65, %broadcast_in_dim3A_68 : vector<64x128xi1>, vector<64x128xf32>
      %get3A_69 = arith.constant 0 : index
      %get3A_70 = arith.constant 0 : index
      %get3A_71 = vector.load %arg8[%get3A_69, %get3A_70] : memref<128x1xf32, #tpu.memory_space<vmem>>, vector<128x1xf32>
      %dot_general3A_72 = arith.constant dense<0.000000e+00> : vector<64x1xf32>
      %dot_general3A_73 = tpu.matmul %select_n3A, %get3A_71, %dot_general3A_72 {dimension_numbers = #tpu.dot_dimension_numbers<[1], [0], [0], [1], [0, 0, 1, 1], [], []>, transpose_lhs_hint = false} : vector<64x128xf32>, vector<128x1xf32>, vector<64x1xf32> -> vector<64x1xf32>
      %get3A_74 = arith.constant 0 : index
      %get3A_75 = arith.constant 0 : index
      %get3A_76 = vector.load %arg9[%get3A_74, %get3A_75] : memref<1x1xf32, #tpu.memory_space<vmem>>, vector<1x1xf32>
      %add3A_77 = vector.broadcast %get3A_76 : vector<1x1xf32> to vector<64x1xf32>
      %add3A_78 = arith.addf %dot_general3A_73, %add3A_77 : vector<64x1xf32>
      %swap3A = arith.constant 0 : index
      %swap3A_79 = arith.constant 0 : index
      %swap3A_80 = vector.load %arg10[%swap3A, %swap3A_79] : memref<64x1xf32, #tpu.memory_space<vmem>>, vector<64x1xf32>
      tpu.vector_store %arg10[%swap3A, %swap3A_79], %add3A_78 {strides = array<i32>} : memref<64x1xf32, #tpu.memory_space<vmem>>, vector<64x1xf32>,
    } else {
    }
    return
  }
  func.func @transform_0(%arg0: i32) -> (i32, i32) {
    %c0_i32 = arith.constant 0 : i32
    %c0_i32_0 = arith.constant 0 : i32
    return %arg0, %c0_i32 : i32, i32
  }
  func.func @transform_1(%arg0: i32) -> (i32, i32, i32) {
    %c0_i32 = arith.constant 0 : i32
    %c0_i32_0 = arith.constant 0 : i32
    %c0_i32_1 = arith.constant 0 : i32
    return %c0_i32, %arg0, %c0_i32_0 : i32, i32, i32
  }
  func.func @transform_2(%arg0: i32) -> (i32, i32, i32) {
    %c0_i32 = arith.constant 0 : i32
    %c0_i32_0 = arith.constant 0 : i32
    %c0_i32_1 = arith.constant 0 : i32
    %c0_i32_2 = arith.constant 0 : i32
    return %c0_i32, %c0_i32_0, %c0_i32_1 : i32, i32, i32
  }
  func.func @transform_3(%arg0: i32) -> (i32, i32) {
    %c0_i32 = arith.constant 0 : i32
    %c0_i32_0 = arith.constant 0 : i32
    return %arg0, %c0_i32 : i32, i32
  }
  func.func @transform_4(%arg0: i32) -> (i32, i32) {
    %c0_i32 = arith.constant 0 : i32
    %c0_i32_0 = arith.constant 0 : i32
    %c0_i32_1 = arith.constant 0 : i32
    return %c0_i32, %c0_i32_0 : i32, i32
  }
  func.func @transform_5(%arg0: i32) -> (i32, i32) {
    %c0_i32 = arith.constant 0 : i32
    %c0_i32_0 = arith.constant 0 : i32
    %c0_i32_1 = arith.constant 0 : i32
    return %c0_i32, %c0_i32_0 : i32, i32
  }
  func.func @transform_6(%arg0: i32) -> (i32, i32) {
    %c0_i32 = arith.constant 0 : i32
    %c0_i32_0 = arith.constant 0 : i32
    %c0_i32_1 = arith.constant 0 : i32
    return %c0_i32, %c0_i32_0 : i32, i32
  }
  func.func @transform_7(%arg0: i32) -> (i32, i32) {
    %c0_i32 = arith.constant 0 : i32
    %c0_i32_0 = arith.constant 0 : i32
    %c0_i32_1 = arith.constant 0 : i32
    return %c0_i32, %c0_i32_0 : i32, i32
  }
  func.func @transform_8(%arg0: i32) -> (i32, i32) {
    %c0_i32 = arith.constant 0 : i32
    %c0_i32_0 = arith.constant 0 : i32
    %c0_i32_1 = arith.constant 0 : i32
    return %c0_i32, %c0_i32_0 : i32, i32
  }
  func.func @transform_9(%arg0: i32) -> (i32, i32) {
    %c0_i32 = arith.constant 0 : i32
    %c0_i32_0 = arith.constant 0 : i32
    %c0_i32_1 = arith.constant 0 : i32
    return %c0_i32, %c0_i32_0 : i32, i32
  }
}

</mosaic_0001>

<sc_bundles>
// kernel: kernel.5.cloned.1.call-start
scs
__scs_entry_jumppad:
0x0: {  	(pc) =	sbr.rel $0x88, $3  }
0x1: {  	(tag) =	ssettag $0x0;
	lr =	simm.s32 $0x1  }
0x2: {  	[smem:$0x3F99] =	sst lr;
	_ =	strace $0xD0000000  }
0x3: {  	_ = 	snop  }
0x4: {  	_ = 	snop  }
0x5: {  	_ = 	snop  }
0x6: {  	_ = 	snop  }
0x7: {  	_ = 	snop  }
__scs_overlays_trampoline_lowered:
0x8: {  	[smem:$0x3FA8] =	sst s0  }
0x9: {  	[smem:$0x3FA9] =	sst s1  }
0xa: {  	[smem:$0x3FAA] =	sst s2  }
0xb: {  	[smem:$0x3FAB] =	sst s3  }
0xc: {  	[smem:$0x3FAC] =	sst s4  }
0xd: {  	[smem:$0x3FAD] =	sst s5  }
0xe: {  	[smem:$0x3FAE] =	sst s6  }
0xf: {  	[smem:$0x3FAF] =	sst s7  }
0x10: {  	[smem:$0x3FB0] =	sst s8  }
0x11: {  	[smem:$0x3FB1] =	sst s9;
	s0 =	simm.s32 @!p0 $0x0  }
0x12: {  	s1 =	sld [smem:$0x3F97];
	s0 =	simm.s32 @p0 $0x1  }
0x13: {  	[smem:$0x3FB2] =	sst s0;
	s0 =	simm.s32 @!p1 $0x0  }
0x14: {  	s2 =	sld [smem:$0x3F96];
	s0 =	simm.s32 @p1 $0x1  }
0x15: {  	[smem:$0x3FB3] =	sst s0;
	s0 =	simm.s32 @!p2 $0x0  }
0x16: {  	s3 =	sld [smem:$0x3FDB];
	s0 =	simm.s32 @p2 $0x1  }
0x17: {  	s4 =	simm.s32 $0x1BF5;
	[smem:$0x3FB5] =	sst s0  }
0x18: {  	s0 =	sld [smem:$0x3F98];
	_ =	swait.ge [sflag:s4], $0x0  }
0x19: {  	s7 =	sld [smem:$0x3F99]  }
0x1a: {  	s8 =	sadd.s32 $0xFFFFE003, lr  }
0x1b: {  	s9 =	sadd.s32 $0xFFFFFEF7, lr;
	s5 =	simm.s32 $0xFFFFFFFF;
	p2 =	slt.u32 s8, $0xFFFFF086  }
0x1c: {  	p1 =	slt.u32 s9, $0xF7A;
	s5 =	simm.s32 @!p2 $0x0  }
0x1d: {  	s5 =	simm.s32 @p1 $0x1;
	p0 =	seq.s32 s7, s2  }
0x1e: {  	s7 =	smul.u32 @!p0 $0xF7A, s2;
	p2 =	seq.s32 @!p0 s5, $0x0  }
0x1f: {  	s9 =	smul.u32 $0xF7A, s1;
	s8 =	simm.s32 @!p0 $0x1BF5;
	p2 =	por !p2, p0  }
0x20: {  	[sflag:s8] =	ssyncset.s32 @!p0 $0xFFFFF086;
	s6 =	sadd.s32 @!p0 s3, s7;
	s7 =	simm.s32 @!p0 $0x108  }
0x21: {  	s3 =	sadd.s32 s3, s9;
	s6 =	sadd.s32 @!p0 $0x88, s6;
	s7 =	simm.s32 @p2 $0x1082  }
0x22: {  	[simem:s7], [sflag:s8] =	dma.local @!p0 [hbm:s6], $0xF7A  }
0x23: {  	s9 =	sor.u32 $0xD0000000, s2;
	s6 =	simm.s32 $0x108;
	_ =	swait.ge @!p0 [sflag:s8], $0x0  }
0x24: {  	s3 =	sadd.s32 $0x88, s3;
	s6 =	simm.s32 @!p1 $0x1082;
	[sflag:s4] =	ssyncset.s32 $0xFFFFF086  }
0x25: {  	[simem:s6], [sflag:s4] =	dma.local [hbm:s3], $0xF7A  }
0x26: {  	[smem:$0x3F99] =	sst s1;
	(tag) =	ssettag s2;
	_ =	strace s9  }
0x27: {  	s1 =	sld [smem:$0x3FA9]  }
0x28: {  	s2 =	sld [smem:$0x3FAA]  }
0x29: {  	s4 =	sld [smem:$0x3FAC]  }
0x2a: {  	p0 =	seq.s32 s5, $0x0;
	s5 =	sld [smem:$0x3FAD]  }
0x2b: {  	s6 =	sld [smem:$0x3FAE]  }
0x2c: {  	s7 =	sld [smem:$0x3FAF]  }
0x2d: {  	s3 =	simm.s32 $0x108;
	s8 =	sld [smem:$0x3FB0]  }
0x2e: {  	s3 =	simm.s32 @!p0 $0x1082;
	s9 =	sld [smem:$0x3FB1]  }
0x2f: {  	lr =	sadd.s32 s0, s3;
	s0 =	sld [smem:$0x3FA8]  }
0x30: {  	s3 =	sld [smem:$0x3FAB]  }
0x31: {  	[smem:$0x3FB4] =	sst s10  }
0x32: {  	s10 =	sld [smem:$0x3FB2];
	_ =	sdelay $0x3  }
0x33: {  	p0 =	seq.s32 s10, $0x1;
	s10 =	sld [smem:$0x3FB4];
	_ =	sdelay $0x3  }
0x34: {  	[smem:$0x3FB4] =	sst s10  }
0x35: {  	s10 =	sld [smem:$0x3FB3];
	_ =	sdelay $0x3  }
0x36: {  	p1 =	seq.s32 s10, $0x1;
	s10 =	sld [smem:$0x3FB4];
	_ =	sdelay $0x3  }
0x37: {  	[smem:$0x3FB4] =	sst s10  }
0x38: {  	s10 =	sld [smem:$0x3FB5]  }
0x39: {  	_ = 	snop;
	(pc) =	sbr.ind lr, $3  }
0x3a: {  	_ = 	snop  }
0x3b: {  	_ = 	snop  }
0x3c: {  	p2 =	seq.s32 s10, $0x1;
	s10 =	sld [smem:$0x3FB4]  }
0x3d: {  	_ =	shalt  }
0x3e: {  	_ =	shalt  }
0x3f: {  	_ =	shalt  }
0x40: {  	_ =	shalt  }
0x41: {  	_ =	shalt  }
0x42: {  	_ =	shalt  }
0x43: {  	_ =	shalt  }
0x44: {  	_ =	shalt  }
0x45: {  	_ =	shalt  }
0x46: {  	_ =	shalt  }
0x47: {  	_ =	shalt  }
0x48: {  	_ =	shalt  }
0x49: {  	_ =	shalt  }
0x4a: {  	_ =	shalt  }
0x4b: {  	_ =	shalt  }
0x4c: {  	_ =	shalt  }
0x4d: {  	_ =	shalt  }
0x4e: {  	_ =	shalt  }
0x4f: {  	_ =	shalt  }
0x50: {  	_ =	shalt  }
0x51: {  	_ =	shalt  }
0x52: {  	_ =	shalt  }
0x53: {  	_ =	shalt  }
0x54: {  	_ =	shalt  }
0x55: {  	_ =	shalt  }
0x56: {  	_ =	shalt  }
0x57: {  	_ =	shalt  }
0x58: {  	_ =	shalt  }
0x59: {  	_ =	shalt  }
0x5a: {  	_ =	shalt  }
0x5b: {  	_ =	shalt  }
0x5c: {  	_ =	shalt  }
0x5d: {  	_ =	shalt  }
0x5e: {  	_ =	shalt  }
0x5f: {  	_ =	shalt  }
0x60: {  	_ =	shalt  }
0x61: {  	_ =	shalt  }
0x62: {  	_ =	shalt  }
0x63: {  	_ =	shalt  }
0x64: {  	_ =	shalt  }
0x65: {  	_ =	shalt  }
0x66: {  	_ =	shalt  }
0x67: {  	_ =	shalt  }
0x68: {  	_ =	shalt  }
0x69: {  	_ =	shalt  }
0x6a: {  	_ =	shalt  }
0x6b: {  	_ =	shalt  }
0x6c: {  	_ =	shalt  }
0x6d: {  	_ =	shalt  }
0x6e: {  	_ =	shalt  }
0x6f: {  	_ =	shalt  }
0x70: {  	_ =	shalt  }
0x71: {  	_ =	shalt  }
0x72: {  	_ =	shalt  }
0x73: {  	_ =	shalt  }
0x74: {  	_ =	shalt  }
0x75: {  	_ =	shalt  }
0x76: {  	_ =	shalt  }
0x77: {  	_ =	shalt  }
0x78: {  	_ =	shalt  }
0x79: {  	_ =	shalt  }
0x7a: {  	_ =	shalt  }
0x7b: {  	_ =	shalt  }
0x7c: {  	_ =	shalt  }
0x7d: {  	_ =	shalt  }
0x7e: {  	_ =	shalt  }
0x7f: {  	_ =	shalt  }
0x80: {  	_ =	shalt  }
0x81: {  	_ =	shalt  }
0x82: {  	_ =	shalt  }
0x83: {  	_ =	shalt  }
0x84: {  	_ =	shalt  }
0x85: {  	_ =	shalt  }
0x86: {  	_ =	shalt  }
0x87: {  	_ =	shalt  }
.Lfunc_end0:
.L_simem_size_0:
called_computation_lowered:
.L_overlay_start_0:
0x88: {  	s2 =	sld [smem:$0x3FD9]  }
0x89: {  	s3 =	sld [smem:$0x3FFE];
	_ =	sdelay $0x1  }
0x8a: {  	s1 =	srdreg.scid  }
0x8b: {  	s0 =	sand.u32 $0x1, s1  }
0x8c: {  	s17 =	sshll.u32 s0, $0xA;
	s2 =	sadd.s32 s3, s2  }
0x8d: {  	s2 =	sadd.s32 s2, s17  }
0x8e: {  	[smem:$0x3FC0] =	sst s2  }
0x8f: {  	_ = 	snop  }
0x90: {  	s2 =	sld [smem:$0x3FC9];
	(tm) =	ssettm $0x1  }
0x91: {  	s18 =	sld [smem:$0x3FFB];
	_ =	sdelay $0x3  }
0x92: {  	_ =	strace s18  }
0x93: {  	s3 =	sld [smem:$0x3FFC];
	_ =	sdelay $0x3  }
0x94: {  	_ =	strace s3  }
0x95: {  	s3 =	sld [smem:$0x3FFD];
	_ =	sdelay $0x3  }
0x96: {  	_ =	strace s3  }
0x97: {  	_ =	strace $0x8FFFFFFF  }
0x98: {  	s19 =	sld [smem:$0x3FDB];
	_ =	sdelay $0x1  }
0x99: {  	s4 =	simm.s32 $_scs_section_size  }
0x9a: {  	s5 =	simm.s32 $_size__tile_overlayer_lowered;
	s6 =	simm.s32 $_tile_overlayer_lowered  }
0x9b: {  	s22 =	simm.s32 $0x1BFF;
	s21 =	sshll.u32 s6, $0x1;
	s3 =	sadd.s32 s4, s19  }
0x9c: {  	s7 =	simm.s32 $0x0;
	s20 =	sshll.u32 s5, $0x1;
	s5 =	sadd.s32 s21, s3  }
0x9d: {  	[timem:s7], [sflag:s22] =	dma.local [hbm:s5], s20  }
0x9e: {  	_ =	swait.ge [sflag:s22], s20  }
0x9f: {  	s4 =	ssub.s32 $0x0, s20;
	[sflag:s22] =	ssyncset.done $0x0  }
0xa0: {  	[sflag:s22] =	ssyncadd.s32 s4;
	_ =	sdelay $0x1  }
0xa1: {  	s23 =	simm.s32 $0x1B8B  }
0xa2: {  	_ =	swait.ge [sflag:s23], $0x1  }
0xa3: {  	[sflag:s23] =	ssyncset.done $0x0  }
0xa4: {  	s25 =	simm.s32 $0x1B8E;
	s24 =	sld [smem:$0x3FFE];
	[sflag:s23] =	ssyncadd.s32 $0xFFFFFFFF  }
0xa5: {  	s26 =	simm.s32 $execute0_lowered;
	[smem:$0x3FD2] =	sst s25  }
0xa6: {  	s5 =	sshll.u32 s26, $0x1;
	_ =	strace $0x80000046;
	[dreg:$0x1] =	wrdreg $0xFFFFFFFF  }
0xa7: {  	s28 =	simm.s32 $_size_execute0_lowered;
	s3 =	sadd.s32 s3, s5;
	[dreg:$0x0] =	wrdreg $0x0  }
0xa8: {  	s5 =	sshll.u32 s28, $0x1;
	[dreg:$0x2] =	wrdreg s3  }
0xa9: {  	[dreg:$0x3] =	wrdreg s5  }
0xaa: {  	[dreg:$0x4] =	wrdreg $0xC0  }
0xab: {  	_ =	task [dreg:s7], $0x5FFFF  }
0xac: {  	[dreg:$0x1] =	wrdreg $0xFFFFFFFF  }
0xad: {  	[dreg:$0x0] =	wrdreg $0x60  }
0xae: {  	[dreg:$0x2] =	wrdreg s24  }
0xaf: {  	[dreg:$0x3] =	wrdreg s2  }
0xb0: {  	[dreg:$0x4] =	wrdreg $0xA8000  }
0xb1: {  	[dreg:$0x5] =	wrdreg $0x9  }
0xb2: {  	_ =	task.clear_ibuf [dreg:s7], $0x6FFFF;
	_ =	strace $0x90000046  }
0xb3: {  	s29 =	simm.s32 $0x9;
	_ =	strace $0x80000048  }
0xb4: {  	_ =	swait.ge [sflag:s29], $0x1  }
0xb5: {  	[sflag:s29] =	ssyncadd.s32 $0xFFFFFFFF  }
0xb6: {  	_ =	strace $0x90000048  }
0xb7: {  	_ =	sfence  }
0xb8: {  	s30 =	sld [smem:$0x0];
	_ =	sdelay $0x2  }
0xb9: {  	s31 =	sshll.u32 s1, $0xD;
	s1 =	sshrl.u32 s1, $0x2  }
0xba: {  	s3 =	sand.u32 $0x4000, s31;
	s1 =	sadd.s32 s1, s30  }
0xbb: {  	s0 =	sor.u32 s3, s0;
	s1 =	sshll.u32 s1, $0x11  }
0xbc: {  	s0 =	sor.u32 s1, s0  }
0xbd: {  	s0 =	sadd.s32 $0x8F2B, s0  }
0xbe: {  	[sflag:s0] =	ssyncadd.remote.s32 $0x1  }
0xbf: {  	_ =	sfence.sel $0xFFFF  }
0xc0: {  	[dreg:$0x0] =	wrdreg $0xFFFFFFFF;
	(pc) =	sbr.abs _section_cstart, $3  }
0xc1: {  	[dreg:$0x1] =	wrdreg $0xFFFFFFFF  }
0xc2: {  	_ =	task.clear_ibuf [dreg:s7], $0x2FFFF;
	_ =	strace $0x9FFFFFFF  }
0xc3: {  	(tm) =	ssettm $0x7FFFFFFF  }
tec
execute0_lowered:
.L_overlay_start_1:
0x0: {  	(tag) =	ssettag $0x1  }
0x1: {  	s0 =	srdreg.scid;
	s1 =	rddreg [dreg:$0x0]  }
0x2: {  	s9 =	stileid.u32;
	s2 =	rddreg [dreg:$0x1];
	s4 =	simm.s32 $0x0  }
0x3: {  	s18 =	simm.s32 $0x2800;
	s19 =	simm.s32 $0x3;
	s20 =	simm.s32 $0x1400  }
0x4: {  	s21 =	simm.s32 $0x80;
	s23 =	simm.s32 $0x1;
	s8 =	smul.u32 $0x13C00, s9  }
0x5: {  	s24 =	simm.s32 $0x0;
	s0 =	sand.u32 $0x1, s0;
	s29 =	smul.u32 $0x4F000, s9  }
0x6: {  	[smem:$0x7FF] =	sst s4;
	s3 =	sshll.u32 s0, $0x4;
	s7 =	smul.u32 $0x13C000, s0  }
0x7: {  	s0 =	ssub.s32 $0x2, s0;
	s5 =	sor.u32 s9, s3;
	s3 =	rddreg [dreg:$0x2]  }
0x8: {  	_ =	strace $0x80000047;
	s31 =	sshrl.u32 s29, $0x2;
	s6 =	smul.u32 $0x2800, s5  }
0x9: {  	s30 =	sshrl.u32 s0, $0x1;
	s22 =	smul.u32 $0xFFFFFFB0, s5;
	s5 =	sadd.s32 s31, s3  }
0xa: {  	s28 =	sadd.s32 s8, s7;
	s0 =	ssub.s32 s0, s30;
	s7 =	sadd.s32 $0x8000, s5  }
0xb: {  	s8 =	sadd.s32 $0xC000, s5;
	s9 =	sadd.s32 $0x10000, s5;
	s6 =	sshrl.u32 s6, $0x3  }
0xc: {  	p0 =	slt.s32 s22, $0xFFFFF68C;
	s15 =	sadd.s32 s6, s1;
	s6 =	sshrl.u32 s28, $0x3  }
0xd: {  	s17 =	smax.u32 s0, $0x1;
	s22 =	simm.s32 @!p0 $0xFFFFF68C;
	s1 =	sadd.s32 s6, s1  }
.Ltmp0:
0xe: {  	s6 =	sadd.s32 $0x4000, s5;
	s10 =	smin.u32 s22, $0xFFFFF664;
	(pc) =	sbr.rel .LBB2_1-.Ltmp0, $4  }
0xf: {  	s11 =	sadd.s32 $0x1A00, s15;
	s13 =	smax.u32 s22, $0xFFFFF664;
	s12 =	sadd.s32 $0xBA00, s15  }
0x10: {  	s14 =	sadd.s32 $0x1C80, s15;
	s15 =	sadd.s32 $0xBC80, s15;
	p1 =	slt.u32 s22, $0xFFFFF665  }
0x11: {  	s22 =	simm.s32 $0x2;
	s10 =	sadd.s32 $0x9C4, s10;
	s13 =	sadd.s32 $0x99C, s13  }
0x12: {  	v0 =	vimm.f32 $0.0e+00;
	[dreg:$0x4] =	wrdreg s14;
	s16 =	sadd.s32 $0x15A00, s1;
	p0 =	seq.s32 s10, $0x0  }
.LBB2_14:
0x13: {  	s1 =	simm.s32 $0x3  }
.LBB2_17:
0x14: {  	s0 =	sor.u32 $0x2800, s0;
	[sflag:s22] =	ssyncadd.s32 @p2 $0xFFFFC000  }
0x15: {  	[tilespmem:s0], [sflag:$0x1] =	stream.indirect.gather [hbm4b:s2+s21], $0x80, s26, s21, $0xb8;
	[tilespmem:$0x1E400] =	vst v63  }
0x16: {  	_ = 	snop  }
0x17: {  	[spmem:s3] =	stream.indirect.scatter.add.f32 [tilespmem:s29], [sflag:$0x2], $0x80, s25, s21, $0xb8;
	[tilespmem:$0x1E400] =	vst v63  }
0x18: {  	_ =	swait.ge [sflag:s23], $0x4000  }
0x19: {  	[sflag:s23] =	ssyncset.done $0x0  }
0x1a: {  	[sflag:s23] =	ssyncadd.s32 $0xFFFFC000  }
0x1b: {  	s30 =	sand.u32 $0x1, s1;
	_ =	swait.ge [sflag:s22], $0x4000  }
0x1c: {  	s0 =	sshll.u32 s30, $0xE;
	[sflag:s22] =	ssyncset.done $0x0  }
0x1d: {  	s31 =	sadd.s32 $0x80, s25;
	s0 =	sor.u32 $0x2800, s0;
	[sflag:s22] =	ssyncadd.s32 $0xFFFFC000  }
0x1e: {  	[spmem:s3] =	stream.indirect.scatter.add.f32 [tilespmem:s0], [sflag:$0x2], $0x80, s31, s21, $0xb8;
	[tilespmem:$0x1E400] =	vst v63  }
0x1f: {  	_ =	swait.ge [sflag:s22], $0x4000  }
0x20: {  	[sflag:s22] =	ssyncset.done $0x0  }
0x21: {  	[sflag:s22] =	ssyncadd.s32 $0xFFFFC000  }
.LBB2_18:
0x22: {  	s0 =	stileid.u32;
	s24 =	sadd.s32 $0x1, s24  }
0x23: {  	[bflag:$0x0] =	sbarrier.arrive $0xFFFF;
	s0 =	sshll.u32 s0, $0x6;
	p2 =	sne.s32 s24, s17  }
.Ltmp1:
0x24: {  	s1 =	sshrl.u32 s5, $0x3;
	s0 =	sor.u32 $0x1C03, s0;
	(pc) =	sbr.rel @!p2 .LBB2_19-.Ltmp1, $4  }
0x25: {  	[hbm:s16], [sflag:s0] =	dma.local [spmem:s1], $0x2780  }
0x26: {  	_ =	swait.ge [sflag:s19], $0x2780  }
0x27: {  	[sflag:s19] =	ssyncset.done $0x0  }
0x28: {  	[sflag:s19] =	ssyncadd.s32 $0xFFFFD880  }
.LBB2_1:
0x29: {  	s0 =	sand.u32 $0xFE00, s4  }
0x2a: {  	s1 =	sand.u32 $0x70, s4;
	s25 =	sshrl.u32 s0, $0x2  }
0x2b: {  	s0 =	simm.s32 $0x40;
	s25 =	sor.u32 s1, s25;
	s1 =	simm.s32 $0x0  }
.LBB2_2:
0x2c: {  	p2 =	sne.s32 s0, $0xFFC0  }
0x2d: {  	[tilespmem:s25+$0x2800] =	vst v0;
	s1 =	sadd.s32 $0x10, s1;
	s25 =	smov.u32 s0;
	s0 =	sadd.s32 $0x40, s0  }
.Ltmp2:
0x2e: {  	(pc) =	sbr.rel @p2 .LBB2_2-.Ltmp2, $4  }
0x2f: {  	_ = 	snop  }
0x30: {  	s25 =	sand.u32 $0xFE00, s25  }
0x31: {  	s26 =	sand.u32 $0x70, s1;
	s25 =	sshrl.u32 s25, $0x2  }
0x32: {  	s25 =	sor.u32 s26, s25  }
0x33: {  	[tilespmem:s25+$0x2800] =	vst v0  }
0x34: {  	[spmem:s5] =	stream.linear.scatter [tilespmem:s18], [sflag:$0x2], $0x4000, $0x38;
	[tilespmem:$0x1E400] =	vst v63  }
0x35: {  	_ = 	snop  }
0x36: {  	[spmem:s6] =	stream.linear.scatter [tilespmem:s18], [sflag:$0x2], $0x4000, $0x38;
	[tilespmem:$0x1E400] =	vst v63  }
0x37: {  	_ = 	snop  }
0x38: {  	[spmem:s7] =	stream.linear.scatter [tilespmem:s18], [sflag:$0x2], $0x4000, $0x38;
	[tilespmem:$0x1E400] =	vst v63  }
0x39: {  	_ = 	snop  }
0x3a: {  	[spmem:s8] =	stream.linear.scatter [tilespmem:s18], [sflag:$0x2], $0x4000, $0x38;
	[tilespmem:$0x1E400] =	vst v63  }
0x3b: {  	_ = 	snop  }
0x3c: {  	[spmem:s9] =	stream.linear.scatter [tilespmem:s18], [sflag:$0x2], $0x3C00, $0x38;
	[tilespmem:$0x1E400] =	vst v63  }
0x3d: {  	_ = 	snop  }
0x3e: {  	[tilespmem:s4], [sflag:$0x3] =	stream.linear.gather [hbm4b:s11+s4], $0x1400, $0x38;
	[tilespmem:$0x1E400] =	vst v63  }
0x3f: {  	_ =	swait.ge [sflag:s19], $0x1400  }
0x40: {  	[sflag:s19] =	ssyncset.done $0x0  }
0x41: {  	[sflag:s19] =	ssyncadd.s32 $0xFFFFEC00  }
0x42: {  	[tilespmem:s20], [sflag:$0x3] =	stream.linear.gather [hbm4b:s12+s4], $0x1400, $0x38;
	[tilespmem:$0x1E400] =	vst v63  }
0x43: {  	_ =	swait.ge [sflag:s19], $0x1400  }
0x44: {  	[sflag:s19] =	ssyncset.done $0x0  }
0x45: {  	s28 =	simm.s32 $0x2;
	[sflag:s19] =	ssyncadd.s32 $0xFFFFEC00  }
0x46: {  	_ =	swait.ge [sflag:s28], $0x4000  }
0x47: {  	[sflag:s28] =	ssyncset.done $0x0  }
0x48: {  	[sflag:s28] =	ssyncadd.s32 $0xFFFFC000  }
0x49: {  	_ =	swait.ge [sflag:s28], $0x4000  }
0x4a: {  	[sflag:s28] =	ssyncset.done $0x0  }
0x4b: {  	[sflag:s28] =	ssyncadd.s32 $0xFFFFC000  }
0x4c: {  	_ =	swait.ge [sflag:s28], $0x4000  }
0x4d: {  	[sflag:s28] =	ssyncset.done $0x0  }
0x4e: {  	[sflag:s28] =	ssyncadd.s32 $0xFFFFC000  }
0x4f: {  	_ =	swait.ge [sflag:s28], $0x4000  }
0x50: {  	[sflag:s28] =	ssyncset.done $0x0  }
0x51: {  	[sflag:s28] =	ssyncadd.s32 $0xFFFFC000  }
0x52: {  	_ =	swait.ge [sflag:s28], $0x3C00  }
0x53: {  	[sflag:s28] =	ssyncset.done $0x0  }
0x54: {  	[sflag:s28] =	ssyncadd.s32 $0xFFFFC400  }
0x55: {  	s0 =	simm.s32 $0x1;
	[bflag:$0x0] =	sbarrier.arrive $0xFFFF  }
0x56: {  	[tilespmem:s18], [sflag:$0x1] =	stream.indirect.gather [hbm4b:s2+s21], $0x80, s4, s21, $0xb8;
	[tilespmem:$0x1E400] =	vst v63  }
0x57: {  	_ =	swait.ge [sflag:s0], $0x4000  }
0x58: {  	[sflag:s0] =	ssyncset.done $0x0  }
0x59: {  	s25 =	simm.s32 $0x6800;
	[sflag:s0] =	ssyncadd.s32 $0xFFFFC000  }
0x5a: {  	[tilespmem:s25], [sflag:$0x1] =	stream.indirect.gather [hbm4b:s2+s21], $0x80, s21, s21, $0xb8;
	[tilespmem:$0x1E400] =	vst v63  }
0x5b: {  	_ = 	snop  }
0x5c: {  	[spmem:s3] =	stream.indirect.scatter.add.f32 [tilespmem:s18], [sflag:$0x2], $0x80, s20, s21, $0xb8;
	[tilespmem:$0x1E400] =	vst v63  }
0x5d: {  	_ =	swait.ge [sflag:s0], $0x4000  }
.Ltmp3:
0x5e: {  	[sflag:s0] =	ssyncset.done $0x0;
	(pc) =	sbr.rel @p0 .LBB2_11-.Ltmp3, $4  }
0x5f: {  	[sflag:s0] =	ssyncadd.s32 $0xFFFFC000  }
0x60: {  	_ =	swait.ge [sflag:s28], $0x4000  }
0x61: {  	[sflag:s28] =	ssyncset.done $0x0  }
0x62: {  	s26 =	simm.s32 $0x200;
	[sflag:s28] =	ssyncadd.s32 $0xFFFFC000  }
0x63: {  	p3 =	sgt.u32 s10, $0x3  }
.Ltmp4:
0x64: {  	_ = 	snop;
	(pc) =	sbr.rel @!p3 .LBB2_5-.Ltmp4, $3  }
0x65: {  	_ =	sdelay $0x1  }
0x66: {  	s29 =	simm.s32 $0x3;
	s0 =	simm.s32 $0x4000  }
0x67: {  	s1 =	simm.s32 $0x80;
	p2 =	por $0x0, $0x0;
	s0 =	sxor.u32 $0x4000, s0  }
0x68: {  	s0 =	sor.u32 $0x2800, s0;
	s1 =	simm.s32 $0x100  }
0x69: {  	[tilespmem:s0], [sflag:$0x1] =	stream.indirect.gather [hbm4b:s2+s21], $0x80, s1, s21, $0xb8;
	[tilespmem:$0x1E400] =	vst v63  }
0x6a: {  	s26 =	simm.s32 $0x1480;
	p3 =	sgt.u32 s10, $0x4  }
0x6b: {  	[spmem:s3] =	stream.indirect.scatter.add.f32 [tilespmem:s25], [sflag:$0x2], $0x80, s26, s21, $0xb8;
	[tilespmem:$0x1E400] =	vst v63  }
.Ltmp5:
0x6c: {  	_ =	swait.ge [sflag:s23], $0x4000;
	(pc) =	sbr.rel @!p3 .LBB2_7-.Ltmp5, $4  }
0x6d: {  	s30 =	simm.s32 $0x4;
	[sflag:s23] =	ssyncset.done $0x0  }
0x6e: {  	s28 =	sand.u32 $0x1, s28;
	p2 =	por $0x1, $0x1;
	[sflag:s23] =	ssyncadd.s32 $0xFFFFC000  }
0x6f: {  	s31 =	sshll.u32 s28, $0xE;
	s1 =	simm.s32 $0x100;
	_ =	swait.ge [sflag:s22], $0x4000  }
0x70: {  	s0 =	sxor.u32 $0x4000, s31;
	s26 =	simm.s32 $0x400;
	[sflag:s22] =	ssyncset.done $0x0  }
.LBB2_8:
0x71: {  	s0 =	sor.u32 $0x2800, s0;
	s28 =	sadd.s32 $0x80, s1;
	[sflag:s22] =	ssyncadd.s32 $0xFFFFC000  }
0x72: {  	s14 =	smov.u32 s29;
	s29 =	smov.u32 s30;
	s30 =	sadd.s32 $0x1, s30  }
0x73: {  	[tilespmem:s0], [sflag:$0x1] =	stream.indirect.gather [hbm4b:s2+s21], $0x80, s28, s21, $0xb8;
	[tilespmem:$0x1E400] =	vst v63  }
0x74: {  	s0 =	sadd.s32 $0x1400, s1;
	s1 =	sor.u32 $0x2800, s31;
	p3 =	slt.u32 s30, s10  }
0x75: {  	[spmem:s3] =	stream.indirect.scatter.add.f32 [tilespmem:s1], [sflag:$0x2], $0x80, s0, s21, $0xb8;
	[tilespmem:$0x1E400] =	vst v63  }
.Ltmp6:
0x76: {  	_ =	swait.ge [sflag:s23], $0x4000;
	(pc) =	sbr.rel @p3 .LBB2_8-.Ltmp6, $4  }
0x77: {  	[sflag:s23] =	ssyncset.done $0x0  }
0x78: {  	s26 =	sadd.s32 $0x200, s26;
	s0 =	sand.u32 $0x1, s14;
	[sflag:s23] =	ssyncadd.s32 $0xFFFFC000  }
0x79: {  	s31 =	sshll.u32 s0, $0xE;
	_ =	swait.ge [sflag:s22], $0x4000  }
0x7a: {  	s1 =	sshra.s32 s26, $0x2;
	s0 =	sxor.u32 $0x4000, s31;
	[sflag:s22] =	ssyncset.done $0x0  }
0x7b: {  	s28 =	smov.u32 s29  }
.LBB2_10:
0x7c: {  	s0 =	sor.u32 $0x2800, s0;
	s14 =	sadd.s32 $0x80, s1;
	[sflag:s22] =	ssyncadd.s32 @p2 $0xFFFFC000  }
0x7d: {  	[tilespmem:s0], [sflag:$0x1] =	stream.indirect.gather [hbm4b:s2+s21], $0x80, s14, s21, $0xb8;
	[tilespmem:$0x1E400] =	vst v63  }
0x7e: {  	s0 =	sor.u32 @p2 $0x2800, s31  }
0x7f: {  	s30 =	sadd.s32 $0x1400, s1;
	s25 =	smov.u32 @p2 s0  }
0x80: {  	[spmem:s3] =	stream.indirect.scatter.add.f32 [tilespmem:s25], [sflag:$0x2], $0x80, s30, s21, $0xb8;
	[tilespmem:$0x1E400] =	vst v63  }
0x81: {  	_ =	swait.ge [sflag:s23], $0x4000  }
0x82: {  	[sflag:s23] =	ssyncset.done $0x0  }
0x83: {  	[sflag:s23] =	ssyncadd.s32 $0xFFFFC000  }
0x84: {  	s31 =	sand.u32 $0x1, s28;
	_ =	swait.ge [sflag:s22], $0x4000  }
0x85: {  	s0 =	sshll.u32 s31, $0xE;
	[sflag:s22] =	ssyncset.done $0x0  }
0x86: {  	s26 =	sadd.s32 $0x200, s26;
	s25 =	sor.u32 $0x2800, s0;
	[sflag:s22] =	ssyncadd.s32 $0xFFFFC000  }
.LBB2_11:
0x87: {  	s0 =	sshra.s32 s26, $0x2  }
.Ltmp7:
0x88: {  	s0 =	sadd.s32 $0x1400, s0;
	(pc) =	sbr.rel @p1 .LBB2_18-.Ltmp7, $4  }
0x89: {  	[spmem:s3] =	stream.indirect.scatter.add.f32 [tilespmem:s25], [sflag:$0x2], $0x80, s0, s21, $0xb8;
	[tilespmem:$0x1E400] =	vst v63  }
0x8a: {  	_ =	swait.ge [sflag:s22], $0x4000  }
0x8b: {  	[sflag:s22] =	ssyncset.done $0x0  }
0x8c: {  	[sflag:s22] =	ssyncadd.s32 $0xFFFFC000  }
0x8d: {  	s0 =	rddreg [dreg:$0x4]  }
0x8e: {  	[tilespmem:s4], [sflag:$0x3] =	stream.linear.gather [hbm4b:s0+s4], $0x1400, $0x38;
	[tilespmem:$0x1E400] =	vst v63  }
0x8f: {  	_ =	swait.ge [sflag:s19], $0x1400  }
0x90: {  	[sflag:s19] =	ssyncset.done $0x0  }
0x91: {  	[sflag:s19] =	ssyncadd.s32 $0xFFFFEC00  }
0x92: {  	[tilespmem:s20], [sflag:$0x3] =	stream.linear.gather [hbm4b:s15+s4], $0x1400, $0x38;
	[tilespmem:$0x1E400] =	vst v63  }
0x93: {  	_ =	swait.ge [sflag:s19], $0x1400  }
0x94: {  	[sflag:s19] =	ssyncset.done $0x0  }
0x95: {  	s30 =	simm.s32 $0x1;
	[sflag:s19] =	ssyncadd.s32 $0xFFFFEC00  }
0x96: {  	[tilespmem:s18], [sflag:$0x1] =	stream.indirect.gather [hbm4b:s2+s21], $0x80, s4, s21, $0xb8;
	[tilespmem:$0x1E400] =	vst v63  }
0x97: {  	_ =	swait.ge [sflag:s30], $0x4000  }
0x98: {  	[sflag:s30] =	ssyncset.done $0x0  }
0x99: {  	s29 =	simm.s32 $0x6800;
	[sflag:s30] =	ssyncadd.s32 $0xFFFFC000  }
0x9a: {  	[tilespmem:s29], [sflag:$0x1] =	stream.indirect.gather [hbm4b:s2+s21], $0x80, s21, s21, $0xb8;
	[tilespmem:$0x1E400] =	vst v63  }
0x9b: {  	_ = 	snop  }
0x9c: {  	[spmem:s3] =	stream.indirect.scatter.add.f32 [tilespmem:s18], [sflag:$0x2], $0x80, s20, s21, $0xb8;
	[tilespmem:$0x1E400] =	vst v63  }
0x9d: {  	p3 =	sgt.u32 s13, $0x3;
	_ =	swait.ge [sflag:s30], $0x4000  }
.Ltmp8:
0x9e: {  	[sflag:s30] =	ssyncset.done $0x0;
	(pc) =	sbr.rel @!p3 .LBB2_17-.Ltmp8, $4  }
0x9f: {  	s1 =	simm.s32 $0x2;
	[sflag:s30] =	ssyncadd.s32 $0xFFFFC000  }
0xa0: {  	s25 =	simm.s32 $0x1480;
	s26 =	simm.s32 $0x100;
	_ =	swait.ge [sflag:s1], $0x4000  }
0xa1: {  	s31 =	simm.s32 $0x4000;
	s28 =	simm.s32 $0x3;
	[sflag:s1] =	ssyncset.done $0x0  }
0xa2: {  	p2 =	por $0x0, $0x0;
	s0 =	sxor.u32 $0x4000, s31;
	[sflag:s1] =	ssyncadd.s32 $0xFFFFC000  }
0xa3: {  	s0 =	sor.u32 $0x2800, s0  }
0xa4: {  	[tilespmem:s0], [sflag:$0x1] =	stream.indirect.gather [hbm4b:s2+s21], $0x80, s26, s21, $0xb8;
	[tilespmem:$0x1E400] =	vst v63  }
0xa5: {  	p3 =	sgt.u32 s13, $0x4  }
0xa6: {  	[spmem:s3] =	stream.indirect.scatter.add.f32 [tilespmem:s29], [sflag:$0x2], $0x80, s25, s21, $0xb8;
	[tilespmem:$0x1E400] =	vst v63  }
.Ltmp9:
0xa7: {  	_ =	swait.ge [sflag:s23], $0x4000;
	(pc) =	sbr.rel @!p3 .LBB2_14-.Ltmp9, $4  }
0xa8: {  	s30 =	simm.s32 $0x4;
	s31 =	sand.u32 $0x1, s1;
	[sflag:s23] =	ssyncset.done $0x0  }
0xa9: {  	p2 =	por $0x1, $0x1;
	s1 =	sshll.u32 s31, $0xE;
	[sflag:s23] =	ssyncadd.s32 $0xFFFFC000  }
0xaa: {  	s26 =	simm.s32 $0x180;
	s0 =	sxor.u32 $0x4000, s1;
	_ =	swait.ge [sflag:s22], $0x4000  }
0xab: {  	s25 =	simm.s32 $0x1500;
	s29 =	sor.u32 $0x2800, s1;
	[sflag:s22] =	ssyncset.done $0x0  }
.LBB2_15:
0xac: {  	s0 =	sor.u32 $0x2800, s0;
	[sflag:s22] =	ssyncadd.s32 $0xFFFFC000  }
0xad: {  	s1 =	smov.u32 s28;
	s28 =	smov.u32 s30;
	s30 =	sadd.s32 $0x1, s30  }
0xae: {  	[tilespmem:s0], [sflag:$0x1] =	stream.indirect.gather [hbm4b:s2+s21], $0x80, s26, s21, $0xb8;
	[tilespmem:$0x1E400] =	vst v63  }
0xaf: {  	p3 =	slt.u32 s30, s13  }
0xb0: {  	[spmem:s3] =	stream.indirect.scatter.add.f32 [tilespmem:s29], [sflag:$0x2], $0x80, s25, s21, $0xb8;
	[tilespmem:$0x1E400] =	vst v63  }
.Ltmp10:
0xb1: {  	_ =	swait.ge [sflag:s23], $0x4000;
	(pc) =	sbr.rel @p3 .LBB2_15-.Ltmp10, $4  }
0xb2: {  	s26 =	sadd.s32 $0x80, s26;
	[sflag:s23] =	ssyncset.done $0x0  }
0xb3: {  	s0 =	sand.u32 $0x1, s1;
	s25 =	sadd.s32 $0x80, s25;
	[sflag:s23] =	ssyncadd.s32 $0xFFFFC000  }
0xb4: {  	s1 =	sshll.u32 s0, $0xE;
	_ =	swait.ge [sflag:s22], $0x4000  }
0xb5: {  	s0 =	sxor.u32 $0x4000, s1;
	s29 =	sor.u32 $0x2800, s1;
	[sflag:s22] =	ssyncset.done $0x0  }
.Ltmp11:
0xb6: {  	(pc) =	sbr.rel .LBB2_17-.Ltmp11, $2  }
0xb7: {  	_ =	sdelay $0x2  }
0xb8: {  	s1 =	smov.u32 s28  }
.LBB2_5:
.Ltmp12:
0xb9: {  	(pc) =	sbr.rel .LBB2_10-.Ltmp12, $2  }
0xba: {  	_ =	sdelay $0x2  }
0xbb: {  	_ = 	snop  }
.LBB2_7:
.Ltmp13:
0xbc: {  	(pc) =	sbr.rel .LBB2_10-.Ltmp13, $2  }
0xbd: {  	_ =	sdelay $0x2  }
0xbe: {  	s28 =	simm.s32 $0x3  }
.LBB2_19:
0xbf: {  	_ =	sfence.sel $0x180000  }
0xc0: {  	[bflag:$0x0] =	sbarrier.arrive $0xFFFF  }
0xc1: {  	_ =	strace $0x90000047  }
0xc2: {  	s0 =	stileid.u32;
	[bflag:$0x2] =	sbarrier.arrive $0xFFFF  }
0xc3: {  	p0 =	sne.s32 s0, $0x0;
	s0 =	rddreg [dreg:$0x3]  }
0xc4: {  	s0 =	sadd.s32 @!p0 $0x100000, s0  }
0xc5: {  	[sflag:s0] =	ssyncadd.tile.s32 @!p0 $0x1;
	_ =	shalt  }
.Lfunc_end2:
_tile_overlayer_lowered:
.L_overlay_start_2:
0xc6: {  	(tag) =	ssettag $0x2  }
0xc7: {  	s0 =	rddreg [dreg:$0x0];
	s2 =	stileid.u32  }
0xc8: {  	s1 =	rddreg [dreg:$0x1];
	p0 =	sne.s32 s2, $0x0  }
0xc9: {  	s3 =	rddreg [dreg:$0x2];
	[bflag:$0x3] =	sbarrier.arrive $0xFFFF;
	s2 =	simm.s32 @!p0 $0x1C03  }
0xca: {  	[timem:s3], [sflag:s2] =	dma.local @!p0 [hbm:s0], s1  }
0xcb: {  	s0 =	simm.s32 @!p0 $0x3  }
0xcc: {  	_ =	swait.ge @!p0 [sflag:s0], s1  }
0xcd: {  	s1 =	ssub.s32 @!p0 $0x0, s1;
	[sflag:s0] =	ssyncset.done @!p0 $0x0  }
0xce: {  	[sflag:s0] =	ssyncadd.s32 @!p0 s1  }
0xcf: {  	[bflag:$0x3] =	sbarrier.arrive $0xFFFF  }
0xd0: {  	_ =	shalt  }

// kernel: kernel.8.cloned.1.call-start
scs
__scs_entry_jumppad:
0x0: {  	(pc) =	sbr.rel $0x88, $3  }
0x1: {  	(tag) =	ssettag $0x0;
	lr =	simm.s32 $0x1  }
0x2: {  	[smem:$0x3F99] =	sst lr;
	_ =	strace $0xD0000000  }
0x3: {  	_ = 	snop  }
0x4: {  	_ = 	snop  }
0x5: {  	_ = 	snop  }
0x6: {  	_ = 	snop  }
0x7: {  	_ = 	snop  }
__scs_overlays_trampoline_lowered:
0x8: {  	[smem:$0x3FA8] =	sst s0  }
0x9: {  	[smem:$0x3FA9] =	sst s1  }
0xa: {  	[smem:$0x3FAA] =	sst s2  }
0xb: {  	[smem:$0x3FAB] =	sst s3  }
0xc: {  	[smem:$0x3FAC] =	sst s4  }
0xd: {  	[smem:$0x3FAD] =	sst s5  }
0xe: {  	[smem:$0x3FAE] =	sst s6  }
0xf: {  	[smem:$0x3FAF] =	sst s7  }
0x10: {  	[smem:$0x3FB0] =	sst s8  }
0x11: {  	[smem:$0x3FB1] =	sst s9;
	s0 =	simm.s32 @!p0 $0x0  }
0x12: {  	s1 =	sld [smem:$0x3F97];
	s0 =	simm.s32 @p0 $0x1  }
0x13: {  	[smem:$0x3FB2] =	sst s0;
	s0 =	simm.s32 @!p1 $0x0  }
0x14: {  	s2 =	sld [smem:$0x3F96];
	s0 =	simm.s32 @p1 $0x1  }
0x15: {  	[smem:$0x3FB3] =	sst s0;
	s0 =	simm.s32 @!p2 $0x0  }
0x16: {  	s3 =	sld [smem:$0x3FDB];
	s0 =	simm.s32 @p2 $0x1  }
0x17: {  	s4 =	simm.s32 $0x1BF5;
	[smem:$0x3FB5] =	sst s0  }
0x18: {  	s0 =	sld [smem:$0x3F98];
	_ =	swait.ge [sflag:s4], $0x0  }
0x19: {  	s7 =	sld [smem:$0x3F99]  }
0x1a: {  	s8 =	sadd.s32 $0xFFFFE003, lr  }
0x1b: {  	s9 =	sadd.s32 $0xFFFFFEF7, lr;
	s5 =	simm.s32 $0xFFFFFFFF;
	p2 =	slt.u32 s8, $0xFFFFF086  }
0x1c: {  	p1 =	slt.u32 s9, $0xF7A;
	s5 =	simm.s32 @!p2 $0x0  }
0x1d: {  	s5 =	simm.s32 @p1 $0x1;
	p0 =	seq.s32 s7, s2  }
0x1e: {  	s7 =	smul.u32 @!p0 $0xF7A, s2;
	p2 =	seq.s32 @!p0 s5, $0x0  }
0x1f: {  	s9 =	smul.u32 $0xF7A, s1;
	s8 =	simm.s32 @!p0 $0x1BF5;
	p2 =	por !p2, p0  }
0x20: {  	[sflag:s8] =	ssyncset.s32 @!p0 $0xFFFFF086;
	s6 =	sadd.s32 @!p0 s3, s7;
	s7 =	simm.s32 @!p0 $0x108  }
0x21: {  	s3 =	sadd.s32 s3, s9;
	s6 =	sadd.s32 @!p0 $0x88, s6;
	s7 =	simm.s32 @p2 $0x1082  }
0x22: {  	[simem:s7], [sflag:s8] =	dma.local @!p0 [hbm:s6], $0xF7A  }
0x23: {  	s9 =	sor.u32 $0xD0000000, s2;
	s6 =	simm.s32 $0x108;
	_ =	swait.ge @!p0 [sflag:s8], $0x0  }
0x24: {  	s3 =	sadd.s32 $0x88, s3;
	s6 =	simm.s32 @!p1 $0x1082;
	[sflag:s4] =	ssyncset.s32 $0xFFFFF086  }
0x25: {  	[simem:s6], [sflag:s4] =	dma.local [hbm:s3], $0xF7A  }
0x26: {  	[smem:$0x3F99] =	sst s1;
	(tag) =	ssettag s2;
	_ =	strace s9  }
0x27: {  	s1 =	sld [smem:$0x3FA9]  }
0x28: {  	s2 =	sld [smem:$0x3FAA]  }
0x29: {  	s4 =	sld [smem:$0x3FAC]  }
0x2a: {  	p0 =	seq.s32 s5, $0x0;
	s5 =	sld [smem:$0x3FAD]  }
0x2b: {  	s6 =	sld [smem:$0x3FAE]  }
0x2c: {  	s7 =	sld [smem:$0x3FAF]  }
0x2d: {  	s3 =	simm.s32 $0x108;
	s8 =	sld [smem:$0x3FB0]  }
0x2e: {  	s3 =	simm.s32 @!p0 $0x1082;
	s9 =	sld [smem:$0x3FB1]  }
0x2f: {  	lr =	sadd.s32 s0, s3;
	s0 =	sld [smem:$0x3FA8]  }
0x30: {  	s3 =	sld [smem:$0x3FAB]  }
0x31: {  	[smem:$0x3FB4] =	sst s10  }
0x32: {  	s10 =	sld [smem:$0x3FB2];
	_ =	sdelay $0x3  }
0x33: {  	p0 =	seq.s32 s10, $0x1;
	s10 =	sld [smem:$0x3FB4];
	_ =	sdelay $0x3  }
0x34: {  	[smem:$0x3FB4] =	sst s10  }
0x35: {  	s10 =	sld [smem:$0x3FB3];
	_ =	sdelay $0x3  }
0x36: {  	p1 =	seq.s32 s10, $0x1;
	s10 =	sld [smem:$0x3FB4];
	_ =	sdelay $0x3  }
0x37: {  	[smem:$0x3FB4] =	sst s10  }
0x38: {  	s10 =	sld [smem:$0x3FB5]  }
0x39: {  	_ = 	snop;
	(pc) =	sbr.ind lr, $3  }
0x3a: {  	_ = 	snop  }
0x3b: {  	_ = 	snop  }
0x3c: {  	p2 =	seq.s32 s10, $0x1;
	s10 =	sld [smem:$0x3FB4]  }
0x3d: {  	_ =	shalt  }
0x3e: {  	_ =	shalt  }
0x3f: {  	_ =	shalt  }
0x40: {  	_ =	shalt  }
0x41: {  	_ =	shalt  }
0x42: {  	_ =	shalt  }
0x43: {  	_ =	shalt  }
0x44: {  	_ =	shalt  }
0x45: {  	_ =	shalt  }
0x46: {  	_ =	shalt  }
0x47: {  	_ =	shalt  }
0x48: {  	_ =	shalt  }
0x49: {  	_ =	shalt  }
0x4a: {  	_ =	shalt  }
0x4b: {  	_ =	shalt  }
0x4c: {  	_ =	shalt  }
0x4d: {  	_ =	shalt  }
0x4e: {  	_ =	shalt  }
0x4f: {  	_ =	shalt  }
0x50: {  	_ =	shalt  }
0x51: {  	_ =	shalt  }
0x52: {  	_ =	shalt  }
0x53: {  	_ =	shalt  }
0x54: {  	_ =	shalt  }
0x55: {  	_ =	shalt  }
0x56: {  	_ =	shalt  }
0x57: {  	_ =	shalt  }
0x58: {  	_ =	shalt  }
0x59: {  	_ =	shalt  }
0x5a: {  	_ =	shalt  }
0x5b: {  	_ =	shalt  }
0x5c: {  	_ =	shalt  }
0x5d: {  	_ =	shalt  }
0x5e: {  	_ =	shalt  }
0x5f: {  	_ =	shalt  }
0x60: {  	_ =	shalt  }
0x61: {  	_ =	shalt  }
0x62: {  	_ =	shalt  }
0x63: {  	_ =	shalt  }
0x64: {  	_ =	shalt  }
0x65: {  	_ =	shalt  }
0x66: {  	_ =	shalt  }
0x67: {  	_ =	shalt  }
0x68: {  	_ =	shalt  }
0x69: {  	_ =	shalt  }
0x6a: {  	_ =	shalt  }
0x6b: {  	_ =	shalt  }
0x6c: {  	_ =	shalt  }
0x6d: {  	_ =	shalt  }
0x6e: {  	_ =	shalt  }
0x6f: {  	_ =	shalt  }
0x70: {  	_ =	shalt  }
0x71: {  	_ =	shalt  }
0x72: {  	_ =	shalt  }
0x73: {  	_ =	shalt  }
0x74: {  	_ =	shalt  }
0x75: {  	_ =	shalt  }
0x76: {  	_ =	shalt  }
0x77: {  	_ =	shalt  }
0x78: {  	_ =	shalt  }
0x79: {  	_ =	shalt  }
0x7a: {  	_ =	shalt  }
0x7b: {  	_ =	shalt  }
0x7c: {  	_ =	shalt  }
0x7d: {  	_ =	shalt  }
0x7e: {  	_ =	shalt  }
0x7f: {  	_ =	shalt  }
0x80: {  	_ =	shalt  }
0x81: {  	_ =	shalt  }
0x82: {  	_ =	shalt  }
0x83: {  	_ =	shalt  }
0x84: {  	_ =	shalt  }
0x85: {  	_ =	shalt  }
0x86: {  	_ =	shalt  }
0x87: {  	_ =	shalt  }
.Lfunc_end0:
.L_simem_size_0:
called_computation.1_lowered:
.L_overlay_start_0:
0x88: {  	s2 =	sld [smem:$0x3FD9]  }
0x89: {  	s3 =	sld [smem:$0x3FFE];
	_ =	sdelay $0x1  }
0x8a: {  	s1 =	srdreg.scid  }
0x8b: {  	s0 =	sand.u32 $0x1, s1  }
0x8c: {  	s17 =	sshll.u32 s0, $0xA;
	s2 =	sadd.s32 s3, s2  }
0x8d: {  	s2 =	sadd.s32 s2, s17  }
0x8e: {  	[smem:$0x3FC0] =	sst s2  }
0x8f: {  	_ = 	snop  }
0x90: {  	(tm) =	ssettm $0x1  }
0x91: {  	s18 =	sld [smem:$0x3FFB];
	_ =	sdelay $0x3  }
0x92: {  	_ =	strace s18  }
0x93: {  	s2 =	sld [smem:$0x3FFC];
	_ =	sdelay $0x3  }
0x94: {  	_ =	strace s2  }
0x95: {  	s2 =	sld [smem:$0x3FFD];
	_ =	sdelay $0x3  }
0x96: {  	_ =	strace s2  }
0x97: {  	_ =	strace $0x8FFFFFFF  }
0x98: {  	s19 =	sld [smem:$0x3FDB];
	_ =	sdelay $0x1  }
0x99: {  	s20 =	simm.s32 $_scs_section_size  }
0x9a: {  	s4 =	simm.s32 $_size__tile_overlayer_lowered;
	s5 =	simm.s32 $_tile_overlayer_lowered  }
0x9b: {  	s6 =	simm.s32 $0x1BFF;
	s21 =	sshll.u32 s5, $0x1;
	s3 =	sadd.s32 s20, s19  }
0x9c: {  	s22 =	simm.s32 $0x0;
	s4 =	sshll.u32 s4, $0x1;
	s5 =	sadd.s32 s21, s3  }
0x9d: {  	[timem:s22], [sflag:s6] =	dma.local [hbm:s5], s4  }
0x9e: {  	_ =	swait.ge [sflag:s6], s4  }
0x9f: {  	s4 =	ssub.s32 $0x0, s4;
	[sflag:s6] =	ssyncset.done $0x0  }
0xa0: {  	[sflag:s6] =	ssyncadd.s32 s4;
	_ =	sdelay $0x1  }
0xa1: {  	s23 =	simm.s32 $0x1B8B  }
0xa2: {  	_ =	swait.ge [sflag:s23], $0x1  }
0xa3: {  	[sflag:s23] =	ssyncset.done $0x0  }
0xa4: {  	[sflag:s23] =	ssyncadd.s32 $0xFFFFFFFF  }
0xa5: {  	s4 =	sld [smem:$0x0]  }
0xa6: {  	s5 =	sand.u32 $0xFFFFFFFE, s1  }
0xa7: {  	p0 =	sne.s32 s1, s5  }
0xa8: {  	s5 =	sshll.u32 @p0 s5, $0xE  }
0xa9: {  	s5 =	sadd.s32 @p0 $0x11B8D, s5;
	s6 =	sshll.u32 @p0 s4, $0x11  }
0xaa: {  	s5 =	sor.u32 @p0 s6, s5  }
0xab: {  	[sflag:s5] =	ssyncadd.remote.s32 @p0 $0x1;
	_ =	sdelay $0x1  }
0xac: {  	s5 =	simm.s32 @p0 $0x1B8D  }
0xad: {  	_ =	swait.eq @p0 [sflag:s5], $0x1  }
0xae: {  	[sflag:s5] =	ssyncadd.s32 @p0 $0xFFFFFFFF  }
0xaf: {  	s6 =	sshll.u32 @!p0 s1, $0xE  }
0xb0: {  	s6 =	sor.u32 @!p0 $0x4000, s6;
	s5 =	simm.s32 @!p0 $0x1B8D  }
0xb1: {  	s4 =	sshll.u32 @!p0 s4, $0x11;
	s6 =	sadd.s32 @!p0 $0x11B8D, s6;
	_ =	swait.eq @!p0 [sflag:s5], $0x1  }
0xb2: {  	s4 =	sor.u32 @!p0 s4, s6;
	[sflag:s5] =	ssyncadd.s32 @!p0 $0xFFFFFFFF  }
0xb3: {  	s25 =	simm.s32 $0x1B8E;
	s24 =	sld [smem:$0x3FFE];
	[sflag:s4] =	ssyncadd.remote.s32 @!p0 $0x1  }
0xb4: {  	s26 =	simm.s32 $execute0_lowered;
	[smem:$0x3FD2] =	sst s25  }
0xb5: {  	s5 =	sshll.u32 s26, $0x1;
	_ =	strace $0x80000049;
	[dreg:$0x1] =	wrdreg $0xFFFFFFFF  }
0xb6: {  	s28 =	simm.s32 $_size_execute0_lowered;
	s3 =	sadd.s32 s3, s5;
	[dreg:$0x0] =	wrdreg $0x0  }
0xb7: {  	s5 =	sshll.u32 s28, $0x1;
	[dreg:$0x2] =	wrdreg s3  }
0xb8: {  	[dreg:$0x3] =	wrdreg s5  }
0xb9: {  	[dreg:$0x4] =	wrdreg $0xC0  }
0xba: {  	_ =	task [dreg:s22], $0x5FFFF  }
0xbb: {  	[dreg:$0x1] =	wrdreg $0xFFFFFFFF  }
0xbc: {  	[dreg:$0x0] =	wrdreg $0x60  }
0xbd: {  	[dreg:$0x2] =	wrdreg s24  }
0xbe: {  	[dreg:$0x3] =	wrdreg $0xA  }
0xbf: {  	_ =	task.clear_ibuf [dreg:s22], $0x4FFFF;
	_ =	strace $0x90000049  }
0xc0: {  	s29 =	simm.s32 $0xA;
	_ =	strace $0x8000004B  }
0xc1: {  	_ =	swait.ge [sflag:s29], $0x1  }
0xc2: {  	[sflag:s29] =	ssyncadd.s32 $0xFFFFFFFF  }
0xc3: {  	_ =	strace $0x9000004B  }
0xc4: {  	_ =	sfence  }
0xc5: {  	s30 =	sld [smem:$0x0];
	_ =	sdelay $0x2  }
0xc6: {  	s31 =	sshll.u32 s1, $0xD;
	s1 =	sshrl.u32 s1, $0x2  }
0xc7: {  	s4 =	sand.u32 $0x4000, s31;
	s1 =	sadd.s32 s1, s30  }
0xc8: {  	s0 =	sor.u32 s4, s0;
	s1 =	sshll.u32 s1, $0x11  }
0xc9: {  	s0 =	sor.u32 s1, s0  }
0xca: {  	s0 =	sadd.s32 $0x8F2B, s0  }
0xcb: {  	[sflag:s0] =	ssyncadd.remote.s32 $0x1  }
0xcc: {  	_ =	sfence.sel $0xFFFF  }
0xcd: {  	[dreg:$0x0] =	wrdreg $0xFFFFFFFF;
	(pc) =	sbr.abs _section_cstart, $3  }
0xce: {  	[dreg:$0x1] =	wrdreg $0xFFFFFFFF  }
0xcf: {  	_ =	task.clear_ibuf [dreg:s22], $0x2FFFF;
	_ =	strace $0x9FFFFFFF  }
0xd0: {  	(tm) =	ssettm $0x7FFFFFFF  }
0xd1: {  	_ =	shalt  }
tec
execute0_lowered:
.L_overlay_start_1:
0x0: {  	(tag) =	ssettag $0x1  }
0x1: {  	s3 =	rddreg [dreg:$0x0];
	s2 =	srdreg.scid  }
0x2: {  	s0 =	rddreg [dreg:$0x1];
	s1 =	stileid.u32;
	s4 =	sand.u32 $0x1, s2  }
0x3: {  	s9 =	simm.s32 $0x400;
	s6 =	sshrl.u32 s1, $0x3;
	s5 =	smul.u32 $0x27800, s4  }
0x4: {  	s2 =	simm.s32 $0x0;
	s7 =	sshll.u32 s4, $0x4;
	s6 =	smul.u32 $0x13C00, s6  }
0x5: {  	s8 =	sshll.u32 s1, $0x7;
	[smem:$0x7FF] =	sst s2;
	s7 =	sor.u32 s1, s7  }
0x6: {  	s29 =	sand.u32 $0x380, s8;
	s7 =	smul.u32 $0x2800, s7;
	s5 =	sadd.s32 s5, s6  }
0x7: {  	s4 =	ssub.s32 $0x2, s4;
	s8 =	simm.s32 $0x80;
	s5 =	sor.u32 s29, s5  }
0x8: {  	_ =	strace $0x8000004A;
	s30 =	sshrl.u32 s7, $0x3;
	s5 =	sshrl.u32 s5, $0x3  }
0x9: {  	s31 =	sshrl.u32 s4, $0x1;
	s6 =	sadd.s32 s3, s30;
	s5 =	sadd.s32 s5, s3  }
0xa: {  	s7 =	ssub.s32 s4, s31;
	s3 =	sadd.s32 $0xBA00, s6;
	s4 =	sadd.s32 $0x64A00, s5  }
0xb: {  	v0 =	vimm.f32 $0.0e+00;
	v1 =	vimm.f32 $1.000000000e+00;
	s5 =	smax.u32 s7, $0x1;
	s6 =	simm.s32 $0x1;
	s7 =	simm.s32 $0x2800  }
.LBB2_1:
0xc: {  	s10 =	simm.s32 $0x0;
	s11 =	simm.s32 $0x200  }
.LBB2_2:
0xd: {  	p0 =	sne.s32 s11, $0x9C00;
	[tilespmem:s10+$0x2870] =	vst v0  }
0xe: {  	[tilespmem:s10+$0x2800] =	vst v0  }
0xf: {  	[tilespmem:s10+$0x2810] =	vst v0  }
.Ltmp0:
0x10: {  	[tilespmem:s10+$0x2820] =	vst v0;
	(pc) =	sbr.rel @p0 .LBB2_2-.Ltmp0, $4  }
0x11: {  	[tilespmem:s10+$0x2830] =	vst v0  }
0x12: {  	[tilespmem:s10+$0x2840] =	vst v0  }
0x13: {  	[tilespmem:s10+$0x2850] =	vst v0  }
0x14: {  	[tilespmem:s10+$0x2860] =	vst v0;
	s10 =	sshra.s32 s11, $0x2;
	s11 =	sadd.s32 $0x200, s11  }
0x15: {  	[tilespmem:s10+$0x2870] =	vst v0  }
0x16: {  	[tilespmem:s10+$0x2800] =	vst v0  }
0x17: {  	[tilespmem:s10+$0x2810] =	vst v0  }
0x18: {  	[tilespmem:s10+$0x2820] =	vst v0  }
0x19: {  	[tilespmem:s10+$0x2830] =	vst v0  }
0x1a: {  	[tilespmem:s10+$0x2840] =	vst v0  }
0x1b: {  	[tilespmem:s10+$0x2850] =	vst v0  }
0x1c: {  	[tilespmem:s10+$0x2860] =	vst v0;
	s10 =	simm.s32 $0x0  }
0x1d: {  	[tilespmem:s10], [sflag:$0x1] =	stream.linear.gather [hbm4b:s3+s10], $0x2800, $0x38;
	[tilespmem:$0x4F80] =	vst v63  }
0x1e: {  	_ =	swait.ge [sflag:s6], $0x2800  }
0x1f: {  	[sflag:s6] =	ssyncset.done $0x0  }
0x20: {  	[sflag:s6] =	ssyncadd.s32 $0xFFFFD800  }
.LBB2_4:
0x21: {  	s11 =	sshra.s32 s10, $0x2  }
0x22: {  	v2 =	vld [tilespmem:s11+$0x0];
	_ =	sdelay $0x7  }
0x23: {  	[tilespmem:v2+s7+$0x0] =	vst.idx.add.f32.msk $0xffff, v1  }
0x24: {  	v2 =	vld [tilespmem:s11+$0x10];
	_ =	sdelay $0x7  }
0x25: {  	[tilespmem:v2+s7+$0x0] =	vst.idx.add.f32.msk $0xffff, v1  }
0x26: {  	v2 =	vld [tilespmem:s11+$0x20];
	_ =	sdelay $0x7  }
0x27: {  	[tilespmem:v2+s7+$0x0] =	vst.idx.add.f32.msk $0xffff, v1  }
0x28: {  	v2 =	vld [tilespmem:s11+$0x30];
	_ =	sdelay $0x7  }
0x29: {  	[tilespmem:v2+s7+$0x0] =	vst.idx.add.f32.msk $0xffff, v1  }
0x2a: {  	v2 =	vld [tilespmem:s11+$0x40];
	_ =	sdelay $0x7  }
0x2b: {  	[tilespmem:v2+s7+$0x0] =	vst.idx.add.f32.msk $0xffff, v1  }
0x2c: {  	v2 =	vld [tilespmem:s11+$0x50];
	_ =	sdelay $0x7  }
0x2d: {  	[tilespmem:v2+s7+$0x0] =	vst.idx.add.f32.msk $0xffff, v1  }
0x2e: {  	v2 =	vld [tilespmem:s11+$0x60];
	_ =	sdelay $0x7  }
0x2f: {  	[tilespmem:v2+s7+$0x0] =	vst.idx.add.f32.msk $0xffff, v1  }
0x30: {  	v2 =	vld [tilespmem:s11+$0x70];
	_ =	sdelay $0x2  }
0x31: {  	p0 =	sne.s32 s10, $0x9E00  }
.Ltmp1:
0x32: {  	_ = 	snop;
	(pc) =	sbr.rel @p0 .LBB2_4-.Ltmp1, $2  }
0x33: {  	_ =	sdelay $0x2  }
0x34: {  	s10 =	sadd.s32 $0x200, s10;
	[tilespmem:v2+s7+$0x0] =	vst.idx.add.f32.msk $0xffff, v1  }
0x35: {  	s2 =	sadd.s32 $0x1, s2  }
0x36: {  	p0 =	sne.s32 s2, s5  }
.Ltmp2:
0x37: {  	_ = 	snop;
	(pc) =	sbr.rel @p0 .LBB2_1-.Ltmp2, $4  }
0x38: {  	[hbm4b:s4+s8] =	stream.strided.scatter [tilespmem:s7], [sflag:$0x1], $0x2780, s9, s8, $0x38;
	[tilespmem:$0x4F80] =	vst v63  }
0x39: {  	_ =	swait.ge [sflag:s6], $0x2780  }
0x3a: {  	[sflag:s6] =	ssyncset.done $0x0  }
0x3b: {  	[sflag:s6] =	ssyncadd.s32 $0xFFFFD880  }
0x3c: {  	_ =	sfence.sel $0x180000  }
0x3d: {  	[bflag:$0x0] =	sbarrier.arrive $0xFFFF  }
0x3e: {  	p0 =	sne.s32 s1, $0x0;
	_ =	strace $0x9000004A  }
0x3f: {  	s0 =	sadd.s32 @!p0 $0x100000, s0;
	[bflag:$0x2] =	sbarrier.arrive $0xFFFF  }
0x40: {  	[sflag:s0] =	ssyncadd.tile.s32 @!p0 $0x1;
	_ =	shalt  }
.Lfunc_end2:
_tile_overlayer_lowered:
.L_overlay_start_2:
0x41: {  	(tag) =	ssettag $0x2  }
0x42: {  	s0 =	rddreg [dreg:$0x0];
	s2 =	stileid.u32  }
0x43: {  	s1 =	rddreg [dreg:$0x1];
	p0 =	sne.s32 s2, $0x0  }
0x44: {  	s3 =	rddreg [dreg:$0x2];
	[bflag:$0x3] =	sbarrier.arrive $0xFFFF;
	s2 =	simm.s32 @!p0 $0x1C01  }
0x45: {  	[timem:s3], [sflag:s2] =	dma.local @!p0 [hbm:s0], s1  }
0x46: {  	s0 =	simm.s32 @!p0 $0x1  }
0x47: {  	_ =	swait.ge @!p0 [sflag:s0], s1  }
0x48: {  	s1 =	ssub.s32 @!p0 $0x0, s1;
	[sflag:s0] =	ssyncset.done @!p0 $0x0  }
0x49: {  	[sflag:s0] =	ssyncadd.s32 @!p0 s1  }
0x4a: {  	[bflag:$0x3] =	sbarrier.arrive $0xFFFF  }
0x4b: {  	_ =	shalt  }

</sc_bundles>
